<compile_context>
chip_gen: v7x
topology: tpu7x:2x2x1
jax: 0.10.2.dev20260603
libtpu: 0.0.44.dev20260713+nightly
codegen_flags: <defaults>
</compile_context>

<pallas_src>
import functools

import jax
import jax.numpy as jnp
from jax import lax
from jax.experimental import pallas as pl
from jax.experimental.pallas import tpu as pltpu
from jax.experimental.pallas import tpu_sc as plsc

N_RECEP = 4
BATCH = 2048
L = 128
C = 4096
T = N_RECEP * BATCH
AVG_N = 50000.0

TB = 512
NBB = BATCH // TB
GRID = NBB * N_RECEP

NC = 2
NS = 16
NW = NC * NS
ROWS_PER_W = C // NW
TOK_PER_W = T // NW
CHUNK = 128
NCHUNK = TOK_PER_W // CHUNK


def _prep_body(ctx_ref, cm_ref, cn_ref, mseg_ref):
    ctx = ctx_ref[...]
    cnorm = jnp.sqrt(jnp.sum(ctx * ctx, axis=1, keepdims=True))
    cn_ref[...] = ctx / (cnorm + 1e-8)
    seg = lax.dot_general(ctx, cm_ref[...], (((1,), (1,)), ((), ())),
                          preferred_element_type=jnp.float32)
    mseg = jnp.max(seg, axis=1, keepdims=True)
    mseg_ref[...] = jnp.reshape(mseg, (C // L, L))


def _tc_a_body(x_ref, cn_ref, mseg_ref, act_ref, argm_ref):
    i = pl.program_id(0)

    xs = x_ref[...]
    xnorm = jnp.sqrt(jnp.sum(xs * xs, axis=1, keepdims=True))
    xn = xs / (xnorm + 1e-8)
    sim = lax.dot_general(xn, cn_ref[...], (((1,), (1,)), ((), ())),
                          preferred_element_type=jnp.float32)
    m = jnp.max(sim, axis=1, keepdims=True)
    iota1 = lax.broadcasted_iota(jnp.int32, (1, C), 1).astype(jnp.float32)
    idxm = jnp.where(sim == m, iota1, jnp.float32(2.0**30))
    amf = jnp.min(idxm, axis=1, keepdims=True)
    am = amf.astype(jnp.int32)
    row = lax.shift_right_logical(am, 7)
    col = jnp.bitwise_and(am, jnp.int32(L - 1))
    oh_row = (lax.broadcasted_iota(jnp.int32, (1, C // L), 1) == row
              ).astype(jnp.float32)
    t1 = lax.dot_general(oh_row, mseg_ref[...], (((1,), (0,)), ((), ())),
                         preferred_element_type=jnp.float32)
    oh_col = (lax.broadcasted_iota(jnp.int32, (1, L), 1) == col
              ).astype(jnp.float32)
    msel = jnp.sum(t1 * oh_col, axis=1, keepdims=True)
    act = jax.nn.sigmoid(msel)

    sl = pl.ds(i * (TB // L), TB // L)
    act_ref[sl, :] = jnp.reshape(act, (TB // L, L))
    argm_ref[sl, :] = jnp.reshape(am, (TB // L, L))


def _tc_b_body(x_ref, w_ref, b_ref, act_ref, out_ref):
    i = pl.program_id(0)
    n = i % N_RECEP

    xs = x_ref[...]
    rec = jax.nn.gelu(lax.dot_general(xs, w_ref[...], (((1,), (0,)), ((), ())),
                                      preferred_element_type=jnp.float32)
                      + b_ref[...])
    tblk = n * NBB + i // N_RECEP
    actblk = act_ref[pl.ds(tblk * (TB // L), TB // L), :]
    ids = lax.broadcasted_iota(jnp.int32, (TB, 1), 0)
    oh_r = (lax.broadcasted_iota(jnp.int32, (1, TB // L), 1)
            == lax.shift_right_logical(ids, 7)).astype(jnp.float32)
    t1 = lax.dot_general(oh_r, actblk, (((1,), (0,)), ((), ())),
                         preferred_element_type=jnp.float32)
    oh_c = (lax.broadcasted_iota(jnp.int32, (1, L), 1)
            == jnp.bitwise_and(ids, jnp.int32(L - 1))).astype(jnp.float32)
    act = jnp.sum(t1 * oh_c, axis=1, keepdims=True)
    contrib = rec * act * (1.0 / N_RECEP)

    @pl.when(n == 0)
    def _set():
        out_ref[...] = contrib

    @pl.when(n != 0)
    def _acc():
        out_ref[...] += contrib


def _sc_body(ctx_hbm, xs_hbm, idx_hbm, out_hbm,
             idx0, idx1, rows0, rows1, xsv0, xsv1, cpv,
             sem0, sem1, semx0, semx1, sems):
    wid = lax.axis_index("s") * NC + lax.axis_index("c")
    tbase = wid * TOK_PER_W
    pltpu.sync_copy(idx_hbm.at[wid * NCHUNK], idx0)
    pltpu.sync_copy(idx_hbm.at[wid * NCHUNK + 1], idx1)
    g0 = pltpu.async_copy(ctx_hbm.at[idx0], rows0, sem0)
    g1 = pltpu.async_copy(ctx_hbm.at[idx1], rows1, sem1)
    x0 = pltpu.async_copy(xs_hbm.at[pl.ds(tbase, CHUNK)], xsv0, semx0)
    x1 = pltpu.async_copy(xs_hbm.at[pl.ds(tbase + CHUNK, CHUNK)], xsv1, semx1)
    rbase = wid * ROWS_PER_W
    pltpu.sync_copy(ctx_hbm.at[pl.ds(rbase, ROWS_PER_W)], cpv)
    pltpu.sync_copy(cpv, out_hbm.at[pl.ds(rbase, ROWS_PER_W)])
    plsc.subcore_barrier()

    def _avg(rows, xsv):
        def body(r, carry):
            for cc in range(L // 16):
                sl = pl.ds(cc * 16, 16)
                old = rows[r, sl]
                rows[r, sl] = (old * (AVG_N - 1.0) + xsv[r, sl]) * (1.0 / AVG_N)
            return carry
        lax.fori_loop(0, CHUNK, body, 0)

    g0.wait()
    x0.wait()
    _avg(rows0, xsv0)
    s0 = pltpu.async_copy(rows0, out_hbm.at[idx0], sems)
    g1.wait()
    x1.wait()
    _avg(rows1, xsv1)
    s0.wait()
    pltpu.async_copy(rows1, out_hbm.at[idx1], sems).wait()


def _sc_update(context, xf, idx):
    sc = functools.partial(
        pl.kernel,
        out_type=jax.ShapeDtypeStruct((C, L), jnp.float32),
        mesh=plsc.VectorSubcoreMesh(core_axis_name="c", subcore_axis_name="s",
                                    num_cores=NC, num_subcores=NS),
        scratch_types=[
            pltpu.VMEM((CHUNK,), jnp.int32),
            pltpu.VMEM((CHUNK,), jnp.int32),
            pltpu.VMEM((CHUNK, L), jnp.float32),
            pltpu.VMEM((CHUNK, L), jnp.float32),
            pltpu.VMEM((CHUNK, L), jnp.float32),
            pltpu.VMEM((CHUNK, L), jnp.float32),
            pltpu.VMEM((ROWS_PER_W, L), jnp.float32),
            pltpu.SemaphoreType.DMA,
            pltpu.SemaphoreType.DMA,
            pltpu.SemaphoreType.DMA,
            pltpu.SemaphoreType.DMA,
            pltpu.SemaphoreType.DMA,
        ],
    )(_sc_body)
    return sc(context, xf, idx)


def kernel(x, W, b, ctx_mod, context):
    xf = jnp.reshape(x, (T, L))
    b2 = jnp.reshape(b, (1, L))

    cn, mseg2d = pl.pallas_call(
        _prep_body,
        out_shape=[
            jax.ShapeDtypeStruct((C, L), jnp.float32),
            jax.ShapeDtypeStruct((C // L, L), jnp.float32),
        ],
    )(context, ctx_mod)

    act, argm = pl.pallas_call(
        _tc_a_body,
        grid=(GRID,),
        in_specs=[
            pl.BlockSpec((TB, L), lambda i: (i, 0)),
            pl.BlockSpec((C, L), lambda i: (0, 0)),
            pl.BlockSpec((C // L, L), lambda i: (0, 0)),
        ],
        out_specs=[
            pl.BlockSpec((T // L, L), lambda i: (0, 0)),
            pl.BlockSpec((T // L, L), lambda i: (0, 0)),
        ],
        out_shape=[
            jax.ShapeDtypeStruct((T // L, L), jnp.float32),
            jax.ShapeDtypeStruct((T // L, L), jnp.int32),
        ],
        compiler_params=pltpu.CompilerParams(
            dimension_semantics=("arbitrary",)),
    )(xf, cn, mseg2d)

    new_context = _sc_update(context, xf, argm)

    x_out = pl.pallas_call(
        _tc_b_body,
        grid=(GRID,),
        in_specs=[
            pl.BlockSpec((TB, L), lambda i: ((i % N_RECEP) * NBB + i // N_RECEP, 0)),
            pl.BlockSpec((L, L), lambda i: (0, 0)),
            pl.BlockSpec((1, L), lambda i: (0, 0)),
            pl.BlockSpec((T // L, L), lambda i: (0, 0)),
        ],
        out_specs=pl.BlockSpec((TB, L), lambda i: (i // N_RECEP, 0)),
        out_shape=jax.ShapeDtypeStruct((BATCH, L), jnp.float32),
        compiler_params=pltpu.CompilerParams(
            dimension_semantics=("arbitrary",)),
    )(xf, W, b2, act)

    return (x_out, new_context)

# --- scband reference (transcript-rebuilt; emitter-appended) ---
"""Pipeline reference for scband-cell-model-32031866093752 (READ-ONLY COPY).

The authoritative reference and input builder live on the scoring server;
editing this copy changes nothing except your own understanding.
"""

import jax, jax.numpy as jnp
import numpy as np

N_RECEP = 4
BATCH = 2048
MAIN_DIM = 128
N_CONTEXT = 4096
N_SEGMENTS = 4
AVG_N = 50000.0


def setup_inputs(seed: int = 0) -> dict:
    key = jax.random.key(seed)
    k1, k2, k3, k4, k5 = jax.random.split(key, 5)
    x = jax.random.normal(k1, (N_RECEP, BATCH, MAIN_DIM), dtype=jnp.float32)
    # receptor = Linear(main_dim, main_dim) followed by GELU
    W = jax.random.normal(k2, (MAIN_DIM, MAIN_DIM), dtype=jnp.float32) * 0.05
    b = jnp.zeros((MAIN_DIM,), dtype=jnp.float32)
    # ctx_mod parameter: (n_segments, main_dim), torch.rand init
    ctx_mod = jax.random.uniform(k3, (N_SEGMENTS, MAIN_DIM), dtype=jnp.float32)
    # context buffer: (n_context, main_dim), torch.rand init
    context = jax.random.uniform(k4, (N_CONTEXT, MAIN_DIM), dtype=jnp.float32)
    return {"x": x, "W": W, "b": b, "ctx_mod": ctx_mod, "context": context}


def _dynamic_average(old, new, n):
    return (old * (n - 1.0) + new) / n


def reference(x, W, b, ctx_mod, context):
    N, B, L = x.shape
    xf = jnp.reshape(x, (N * B, L))
    # --- get_update_context (no-grad path on detached x) ---
    xs = jax.lax.stop_gradient(xf)
    xn = xs / (jnp.linalg.norm(xs, axis=1, keepdims=True) + 1e-8)
    cn = context / (jnp.linalg.norm(context, axis=1, keepdims=True) + 1e-8)
    sim = xn @ cn.T                       # (T, n_context) cosine similarity
    argm = jnp.argmax(sim, axis=1)        # (T,)
    cls_ctx = jnp.take(context, argm, axis=0)   # gather from memory table
    new_vals = _dynamic_average(cls_ctx, xs, AVG_N)
    new_context = context.at[argm].set(new_vals)  # scatter-overwrite memory update
    # --- get_segments ---
    segments = jnp.einsum('sl,bl->bs', ctx_mod, cls_ctx)  # (T, n_segments)
    # --- get_activation ---
    max_seg = jnp.max(segments, axis=1)
    activation = jax.nn.sigmoid(max_seg)[:, None]         # (T, 1)
    # --- receptor: Linear + GELU, gated by activation ---
    rec = jax.nn.gelu(xf @ W + b)
    x_out = rec * activation
    # --- reduction: mean over receptor dim ---
    x_out = jnp.reshape(x_out, (N, B, L))
    x_out = jnp.mean(x_out, axis=0)       # (B, L)
    return (x_out, new_context)

if __name__ == "__main__":
    import jax
    _d = setup_inputs()
    print(jax.jit(kernel)(*tuple(_d.values())))

</pallas_src>

<mosaic_0001>
#map = affine_map<(d0, d1) -> (0, 0)>
module attributes {stable_mosaic.version = 14 : i64} {
  func.func @_sc_body(%arg0: i32, %arg1: i32, %arg2: memref<4096x128xf32, #tpu.memory_space<hbm>>, %arg3: memref<8192x128xf32, #tpu.memory_space<hbm>>, %arg4: memref<64x128xi32, #tpu.memory_space<hbm>>, %arg5: memref<4096x128xf32, #tpu.memory_space<hbm>>, %arg6: memref<128xi32, #tpu.memory_space<vmem>>, %arg7: memref<128xi32, #tpu.memory_space<vmem>>, %arg8: memref<128x128xf32, #tpu.memory_space<vmem>>, %arg9: memref<128x128xf32, #tpu.memory_space<vmem>>, %arg10: memref<128x128xf32, #tpu.memory_space<vmem>>, %arg11: memref<128x128xf32, #tpu.memory_space<vmem>>, %arg12: memref<128x128xf32, #tpu.memory_space<vmem>>, %arg13: memref<!tpu.dma_semaphore, #tpu.memory_space<semaphore_mem>>, %arg14: memref<!tpu.dma_semaphore, #tpu.memory_space<semaphore_mem>>, %arg15: memref<!tpu.dma_semaphore, #tpu.memory_space<semaphore_mem>>, %arg16: memref<!tpu.dma_semaphore, #tpu.memory_space<semaphore_mem>>, %arg17: memref<!tpu.dma_semaphore, #tpu.memory_space<semaphore_mem>>) attributes {dimension_semantics = [#tpu.dimension_semantics<core_parallel>, #tpu.dimension_semantics<subcore_parallel>], iteration_bounds = array<i64: 2, 16>, scalar_prefetch = 0 : i64, scratch_operands = 12 : i64, tpu.core_type = #tpu.core_type<sc_vector_subcore>, window_params = [{transform_indices = #map}, {transform_indices = #map}, {transform_indices = #map}, {transform_indices = #map}]} {
    %mul3A = arith.constant 2 : i32
    %mul3A_0 = arith.muli %arg1, %mul3A : i32
    %add3A = arith.addi %mul3A_0, %arg0 : i32
    %mul3A_1 = arith.constant 256 : i32
    %mul3A_2 = arith.muli %add3A, %mul3A_1 : i32
    %mul3A_3 = arith.constant 2 : i32
    %mul3A_4 = arith.muli %add3A, %mul3A_3 : i32
    "tpu.region"() ({
      %run_scoped3A = tpu.sem_alloc : memref<!tpu.dma_semaphore, #tpu.memory_space<semaphore_mem>>
      %dma_start3A_62 = arith.constant 0 : i32
      %dma_start3A_63 = tpu.memref_slice %arg4[%mul3A_4, %dma_start3A_62] : memref<64x128xi32, #tpu.memory_space<hbm>> -> memref<1x128xi32, #tpu.memory_space<hbm>>
      %dma_start3A_64 = tpu.memref_squeeze %dma_start3A_63 : memref<1x128xi32, #tpu.memory_space<hbm>> -> memref<128xi32, #tpu.memory_space<hbm>>
      %dma_start3A_65 = arith.constant 0 : i32
      %dma_start3A_66 = tpu.memref_slice %arg4[%mul3A_4, %dma_start3A_65] : memref<64x128xi32, #tpu.memory_space<hbm>> -> memref<1x128xi32, #tpu.memory_space<hbm>>
      %dma_start3A_67 = tpu.memref_squeeze %dma_start3A_66 : memref<1x128xi32, #tpu.memory_space<hbm>> -> memref<128xi32, #tpu.memory_space<hbm>>
      tpu.enqueue_dma source(%dma_start3A_67 : memref<128xi32, #tpu.memory_space<hbm>>) target(%arg6 : memref<128xi32, #tpu.memory_space<vmem>>) target_semaphore(%run_scoped3A : memref<!tpu.dma_semaphore, #tpu.memory_space<semaphore_mem>>)
      %dma_wait3A_68 = arith.constant 0 : i32
      %dma_wait3A_69 = tpu.memref_slice %arg4[%mul3A_4, %dma_wait3A_68] : memref<64x128xi32, #tpu.memory_space<hbm>> -> memref<1x128xi32, #tpu.memory_space<hbm>>
      %dma_wait3A_70 = tpu.memref_squeeze %dma_wait3A_69 : memref<1x128xi32, #tpu.memory_space<hbm>> -> memref<128xi32, #tpu.memory_space<hbm>>
      %dma_wait3A_71 = arith.constant 0 : i32
      %dma_wait3A_72 = tpu.memref_slice %arg4[%mul3A_4, %dma_wait3A_71] : memref<64x128xi32, #tpu.memory_space<hbm>> -> memref<1x128xi32, #tpu.memory_space<hbm>>
      %dma_wait3A_73 = tpu.memref_squeeze %dma_wait3A_72 : memref<1x128xi32, #tpu.memory_space<hbm>> -> memref<128xi32, #tpu.memory_space<hbm>>
      tpu.wait_dma2 semaphore(%run_scoped3A : memref<!tpu.dma_semaphore, #tpu.memory_space<semaphore_mem>>) src(%dma_wait3A_73 : memref<128xi32, #tpu.memory_space<hbm>>) dst(%arg6 : memref<128xi32, #tpu.memory_space<vmem>>)
      tpu.yield
    }) : () -> ()
    %mul3A_5 = arith.constant 2 : i32
    %mul3A_6 = arith.muli %add3A, %mul3A_5 : i32
    %add3A_7 = arith.constant 1 : i32
    %add3A_8 = arith.addi %mul3A_6, %add3A_7 : i32
    "tpu.region"() ({
      %run_scoped3A = tpu.sem_alloc : memref<!tpu.dma_semaphore, #tpu.memory_space<semaphore_mem>>
      %dma_start3A_62 = arith.constant 0 : i32
      %dma_start3A_63 = tpu.memref_slice %arg4[%add3A_8, %dma_start3A_62] : memref<64x128xi32, #tpu.memory_space<hbm>> -> memref<1x128xi32, #tpu.memory_space<hbm>>
      %dma_start3A_64 = tpu.memref_squeeze %dma_start3A_63 : memref<1x128xi32, #tpu.memory_space<hbm>> -> memref<128xi32, #tpu.memory_space<hbm>>
      %dma_start3A_65 = arith.constant 0 : i32
      %dma_start3A_66 = tpu.memref_slice %arg4[%add3A_8, %dma_start3A_65] : memref<64x128xi32, #tpu.memory_space<hbm>> -> memref<1x128xi32, #tpu.memory_space<hbm>>
      %dma_start3A_67 = tpu.memref_squeeze %dma_start3A_66 : memref<1x128xi32, #tpu.memory_space<hbm>> -> memref<128xi32, #tpu.memory_space<hbm>>
      tpu.enqueue_dma source(%dma_start3A_67 : memref<128xi32, #tpu.memory_space<hbm>>) target(%arg7 : memref<128xi32, #tpu.memory_space<vmem>>) target_semaphore(%run_scoped3A : memref<!tpu.dma_semaphore, #tpu.memory_space<semaphore_mem>>)
      %dma_wait3A_68 = arith.constant 0 : i32
      %dma_wait3A_69 = tpu.memref_slice %arg4[%add3A_8, %dma_wait3A_68] : memref<64x128xi32, #tpu.memory_space<hbm>> -> memref<1x128xi32, #tpu.memory_space<hbm>>
      %dma_wait3A_70 = tpu.memref_squeeze %dma_wait3A_69 : memref<1x128xi32, #tpu.memory_space<hbm>> -> memref<128xi32, #tpu.memory_space<hbm>>
      %dma_wait3A_71 = arith.constant 0 : i32
      %dma_wait3A_72 = tpu.memref_slice %arg4[%add3A_8, %dma_wait3A_71] : memref<64x128xi32, #tpu.memory_space<hbm>> -> memref<1x128xi32, #tpu.memory_space<hbm>>
      %dma_wait3A_73 = tpu.memref_squeeze %dma_wait3A_72 : memref<1x128xi32, #tpu.memory_space<hbm>> -> memref<128xi32, #tpu.memory_space<hbm>>
      tpu.wait_dma2 semaphore(%run_scoped3A : memref<!tpu.dma_semaphore, #tpu.memory_space<semaphore_mem>>) src(%dma_wait3A_73 : memref<128xi32, #tpu.memory_space<hbm>>) dst(%arg7 : memref<128xi32, #tpu.memory_space<vmem>>)
      tpu.yield
    }) : () -> ()
    %dma_start3A = arith.constant 0 : i32
    %dma_start3A_9 = arith.constant 0 : i32
    %dma_start3A_10 = tpu.memref_slice %arg2[%dma_start3A, %dma_start3A_9] : memref<4096x128xf32, #tpu.memory_space<hbm>> -> memref<4096x128xf32, #tpu.memory_space<hbm>>
    tpu.enqueue_indirect_dma source(%dma_start3A_10 : memref<4096x128xf32, #tpu.memory_space<hbm>>) target(%arg8 : memref<128x128xf32, #tpu.memory_space<vmem>>) offsets(%arg6 : memref<128xi32, #tpu.memory_space<vmem>>) semaphore(%arg13 : memref<!tpu.dma_semaphore, #tpu.memory_space<semaphore_mem>>)
    %dma_start3A_11 = arith.constant 0 : i32
    %dma_start3A_12 = arith.constant 0 : i32
    %dma_start3A_13 = tpu.memref_slice %arg2[%dma_start3A_11, %dma_start3A_12] : memref<4096x128xf32, #tpu.memory_space<hbm>> -> memref<4096x128xf32, #tpu.memory_space<hbm>>
    tpu.enqueue_indirect_dma source(%dma_start3A_13 : memref<4096x128xf32, #tpu.memory_space<hbm>>) target(%arg9 : memref<128x128xf32, #tpu.memory_space<vmem>>) offsets(%arg7 : memref<128xi32, #tpu.memory_space<vmem>>) semaphore(%arg14 : memref<!tpu.dma_semaphore, #tpu.memory_space<semaphore_mem>>)
    %dma_start3A_14 = arith.constant 0 : i32
    %dma_start3A_15 = tpu.memref_slice %arg3[%mul3A_2, %dma_start3A_14] : memref<8192x128xf32, #tpu.memory_space<hbm>> -> memref<128x128xf32, #tpu.memory_space<hbm>>
    %dma_start3A_16 = arith.constant 0 : i32
    %dma_start3A_17 = tpu.memref_slice %arg3[%mul3A_2, %dma_start3A_16] : memref<8192x128xf32, #tpu.memory_space<hbm>> -> memref<128x128xf32, #tpu.memory_space<hbm>>
    tpu.enqueue_dma source(%dma_start3A_17 : memref<128x128xf32, #tpu.memory_space<hbm>>) target(%arg10 : memref<128x128xf32, #tpu.memory_space<vmem>>) target_semaphore(%arg15 : memref<!tpu.dma_semaphore, #tpu.memory_space<semaphore_mem>>)
    %add3A_18 = arith.constant 128 : i32
    %add3A_19 = arith.addi %mul3A_2, %add3A_18 : i32
    %dma_start3A_20 = arith.constant 0 : i32
    %dma_start3A_21 = tpu.memref_slice %arg3[%add3A_19, %dma_start3A_20] : memref<8192x128xf32, #tpu.memory_space<hbm>> -> memref<128x128xf32, #tpu.memory_space<hbm>>
    %dma_start3A_22 = arith.constant 0 : i32
    %dma_start3A_23 = tpu.memref_slice %arg3[%add3A_19, %dma_start3A_22] : memref<8192x128xf32, #tpu.memory_space<hbm>> -> memref<128x128xf32, #tpu.memory_space<hbm>>
    tpu.enqueue_dma source(%dma_start3A_23 : memref<128x128xf32, #tpu.memory_space<hbm>>) target(%arg11 : memref<128x128xf32, #tpu.memory_space<vmem>>) target_semaphore(%arg16 : memref<!tpu.dma_semaphore, #tpu.memory_space<semaphore_mem>>)
    %mul3A_24 = arith.constant 128 : i32
    %mul3A_25 = arith.muli %add3A, %mul3A_24 : i32
    "tpu.region"() ({
      %run_scoped3A = tpu.sem_alloc : memref<!tpu.dma_semaphore, #tpu.memory_space<semaphore_mem>>
      %dma_start3A_62 = arith.constant 0 : i32
      %dma_start3A_63 = tpu.memref_slice %arg2[%mul3A_25, %dma_start3A_62] : memref<4096x128xf32, #tpu.memory_space<hbm>> -> memref<128x128xf32, #tpu.memory_space<hbm>>
      %dma_start3A_64 = arith.constant 0 : i32
      %dma_start3A_65 = tpu.memref_slice %arg2[%mul3A_25, %dma_start3A_64] : memref<4096x128xf32, #tpu.memory_space<hbm>> -> memref<128x128xf32, #tpu.memory_space<hbm>>
      tpu.enqueue_dma source(%dma_start3A_65 : memref<128x128xf32, #tpu.memory_space<hbm>>) target(%arg12 : memref<128x128xf32, #tpu.memory_space<vmem>>) target_semaphore(%run_scoped3A : memref<!tpu.dma_semaphore, #tpu.memory_space<semaphore_mem>>)
      %dma_wait3A_66 = arith.constant 0 : i32
      %dma_wait3A_67 = tpu.memref_slice %arg2[%mul3A_25, %dma_wait3A_66] : memref<4096x128xf32, #tpu.memory_space<hbm>> -> memref<128x128xf32, #tpu.memory_space<hbm>>
      %dma_wait3A_68 = arith.constant 0 : i32
      %dma_wait3A_69 = tpu.memref_slice %arg2[%mul3A_25, %dma_wait3A_68] : memref<4096x128xf32, #tpu.memory_space<hbm>> -> memref<128x128xf32, #tpu.memory_space<hbm>>
      tpu.wait_dma2 semaphore(%run_scoped3A : memref<!tpu.dma_semaphore, #tpu.memory_space<semaphore_mem>>) src(%dma_wait3A_69 : memref<128x128xf32, #tpu.memory_space<hbm>>) dst(%arg12 : memref<128x128xf32, #tpu.memory_space<vmem>>)
      tpu.yield
    }) : () -> ()
    "tpu.region"() ({
      %run_scoped3A = tpu.sem_alloc : memref<!tpu.dma_semaphore, #tpu.memory_space<semaphore_mem>>
      %dma_start3A_62 = arith.constant 0 : i32
      %dma_start3A_63 = tpu.memref_slice %arg5[%mul3A_25, %dma_start3A_62] : memref<4096x128xf32, #tpu.memory_space<hbm>> -> memref<128x128xf32, #tpu.memory_space<hbm>>
      %dma_start3A_64 = arith.constant 0 : i32
      %dma_start3A_65 = tpu.memref_slice %arg5[%mul3A_25, %dma_start3A_64] : memref<4096x128xf32, #tpu.memory_space<hbm>> -> memref<128x128xf32, #tpu.memory_space<hbm>>
      tpu.enqueue_dma source(%arg12 : memref<128x128xf32, #tpu.memory_space<vmem>>) target(%dma_start3A_65 : memref<128x128xf32, #tpu.memory_space<hbm>>) target_semaphore(%run_scoped3A : memref<!tpu.dma_semaphore, #tpu.memory_space<semaphore_mem>>)
      %dma_wait3A_66 = arith.constant 0 : i32
      %dma_wait3A_67 = tpu.memref_slice %arg5[%mul3A_25, %dma_wait3A_66] : memref<4096x128xf32, #tpu.memory_space<hbm>> -> memref<128x128xf32, #tpu.memory_space<hbm>>
      %dma_wait3A_68 = arith.constant 0 : i32
      %dma_wait3A_69 = tpu.memref_slice %arg5[%mul3A_25, %dma_wait3A_68] : memref<4096x128xf32, #tpu.memory_space<hbm>> -> memref<128x128xf32, #tpu.memory_space<hbm>>
      tpu.wait_dma2 semaphore(%run_scoped3A : memref<!tpu.dma_semaphore, #tpu.memory_space<semaphore_mem>>) src(%arg12 : memref<128x128xf32, #tpu.memory_space<vmem>>) dst(%dma_wait3A_69 : memref<128x128xf32, #tpu.memory_space<hbm>>)
      tpu.yield
    }) : () -> ()
    %barrier3A = arith.constant 0 : index
    tpu.barrier barrier_id(%barrier3A)
    %dma_wait3A = arith.constant 0 : i32
    %dma_wait3A_26 = arith.constant 0 : i32
    %dma_wait3A_27 = tpu.memref_slice %arg2[%dma_wait3A, %dma_wait3A_26] : memref<4096x128xf32, #tpu.memory_space<hbm>> -> memref<4096x128xf32, #tpu.memory_space<hbm>>
    tpu.wait_indirect_dma semaphore(%arg13 : memref<!tpu.dma_semaphore, #tpu.memory_space<semaphore_mem>>) src(%dma_wait3A_27 : memref<4096x128xf32, #tpu.memory_space<hbm>>) dst(%arg8 : memref<128x128xf32, #tpu.memory_space<vmem>>)
    %dma_wait3A_28 = arith.constant 0 : i32
    %dma_wait3A_29 = tpu.memref_slice %arg3[%mul3A_2, %dma_wait3A_28] : memref<8192x128xf32, #tpu.memory_space<hbm>> -> memref<128x128xf32, #tpu.memory_space<hbm>>
    %dma_wait3A_30 = arith.constant 0 : i32
    %dma_wait3A_31 = tpu.memref_slice %arg3[%mul3A_2, %dma_wait3A_30] : memref<8192x128xf32, #tpu.memory_space<hbm>> -> memref<128x128xf32, #tpu.memory_space<hbm>>
    tpu.wait_dma2 semaphore(%arg15 : memref<!tpu.dma_semaphore, #tpu.memory_space<semaphore_mem>>) src(%dma_wait3A_31 : memref<128x128xf32, #tpu.memory_space<hbm>>) dst(%arg10 : memref<128x128xf32, #tpu.memory_space<vmem>>)
    %scan3A = arith.constant 0 : i32
    %scan3A_32 = arith.constant 0 : i32
    %scan3A_33 = arith.constant 128 : i32
    %scan3A_34 = arith.addi %scan3A_32, %scan3A_33 : i32
    %scan3A_35 = arith.constant 1 : i32
    scf.for %scan3A_62 = %scan3A_32 to %scan3A_34 step %scan3A_35  : i32 {
      %get3A = arith.index_cast %scan3A_62 : i32 to index
      %get3A_63 = arith.constant 0 : index
      %get3A_64 = tpu.vector_load %arg8[%get3A, %get3A_63] {strides = array<i32>} : memref<128x128xf32, #tpu.memory_space<vmem>>, vector<1x16xf32>,
      %get3A_65 = vector.shape_cast %get3A_64 : vector<1x16xf32> to vector<16xf32>
      %mul3A_66 = arith.constant 4.999900e+04 : f32
      %mul3A_67 = vector.broadcast %mul3A_66 : f32 to vector<16xf32>
      %mul3A_68 = arith.mulf %get3A_65, %mul3A_67 : vector<16xf32>
      %get3A_69 = arith.index_cast %scan3A_62 : i32 to index
      %get3A_70 = arith.constant 0 : index
      %get3A_71 = tpu.vector_load %arg10[%get3A_69, %get3A_70] {strides = array<i32>} : memref<128x128xf32, #tpu.memory_space<vmem>>, vector<1x16xf32>,
      %get3A_72 = vector.shape_cast %get3A_71 : vector<1x16xf32> to vector<16xf32>
      %add3A_73 = arith.addf %mul3A_68, %get3A_72 : vector<16xf32>
      %mul3A_74 = arith.constant 2.000000e-05 : f32
      %mul3A_75 = vector.broadcast %mul3A_74 : f32 to vector<16xf32>
      %mul3A_76 = arith.mulf %add3A_73, %mul3A_75 : vector<16xf32>
      %swap3A = arith.index_cast %scan3A_62 : i32 to index
      %swap3A_77 = arith.constant 0 : index
      %swap3A_78 = tpu.vector_load %arg8[%swap3A, %swap3A_77] {strides = array<i32>} : memref<128x128xf32, #tpu.memory_space<vmem>>, vector<1x16xf32>,
      %swap3A_79 = vector.shape_cast %swap3A_78 : vector<1x16xf32> to vector<16xf32>
      %swap3A_80 = vector.shape_cast %mul3A_76 : vector<16xf32> to vector<1x16xf32>
      tpu.vector_store %arg8[%swap3A, %swap3A_77], %swap3A_80 {strides = array<i32>} : memref<128x128xf32, #tpu.memory_space<vmem>>, vector<1x16xf32>,
      %get3A_81 = arith.index_cast %scan3A_62 : i32 to index
      %get3A_82 = arith.constant 16 : index
      %get3A_83 = tpu.vector_load %arg8[%get3A_81, %get3A_82] {strides = array<i32>} : memref<128x128xf32, #tpu.memory_space<vmem>>, vector<1x16xf32>,
      %get3A_84 = vector.shape_cast %get3A_83 : vector<1x16xf32> to vector<16xf32>
      %mul3A_85 = arith.constant 4.999900e+04 : f32
      %mul3A_86 = vector.broadcast %mul3A_85 : f32 to vector<16xf32>
      %mul3A_87 = arith.mulf %get3A_84, %mul3A_86 : vector<16xf32>
      %get3A_88 = arith.index_cast %scan3A_62 : i32 to index
      %get3A_89 = arith.constant 16 : index
      %get3A_90 = tpu.vector_load %arg10[%get3A_88, %get3A_89] {strides = array<i32>} : memref<128x128xf32, #tpu.memory_space<vmem>>, vector<1x16xf32>,
      %get3A_91 = vector.shape_cast %get3A_90 : vector<1x16xf32> to vector<16xf32>
      %add3A_92 = arith.addf %mul3A_87, %get3A_91 : vector<16xf32>
      %mul3A_93 = arith.constant 2.000000e-05 : f32
      %mul3A_94 = vector.broadcast %mul3A_93 : f32 to vector<16xf32>
      %mul3A_95 = arith.mulf %add3A_92, %mul3A_94 : vector<16xf32>
      %swap3A_96 = arith.index_cast %scan3A_62 : i32 to index
      %swap3A_97 = arith.constant 16 : index
      %swap3A_98 = tpu.vector_load %arg8[%swap3A_96, %swap3A_97] {strides = array<i32>} : memref<128x128xf32, #tpu.memory_space<vmem>>, vector<1x16xf32>,
      %swap3A_99 = vector.shape_cast %swap3A_98 : vector<1x16xf32> to vector<16xf32>
      %swap3A_100 = vector.shape_cast %mul3A_95 : vector<16xf32> to vector<1x16xf32>
      tpu.vector_store %arg8[%swap3A_96, %swap3A_97], %swap3A_100 {strides = array<i32>} : memref<128x128xf32, #tpu.memory_space<vmem>>, vector<1x16xf32>,
      %get3A_101 = arith.index_cast %scan3A_62 : i32 to index
      %get3A_102 = arith.constant 32 : index
      %get3A_103 = tpu.vector_load %arg8[%get3A_101, %get3A_102] {strides = array<i32>} : memref<128x128xf32, #tpu.memory_space<vmem>>, vector<1x16xf32>,
      %get3A_104 = vector.shape_cast %get3A_103 : vector<1x16xf32> to vector<16xf32>
      %mul3A_105 = arith.constant 4.999900e+04 : f32
      %mul3A_106 = vector.broadcast %mul3A_105 : f32 to vector<16xf32>
      %mul3A_107 = arith.mulf %get3A_104, %mul3A_106 : vector<16xf32>
      %get3A_108 = arith.index_cast %scan3A_62 : i32 to index
      %get3A_109 = arith.constant 32 : index
      %get3A_110 = tpu.vector_load %arg10[%get3A_108, %get3A_109] {strides = array<i32>} : memref<128x128xf32, #tpu.memory_space<vmem>>, vector<1x16xf32>,
      %get3A_111 = vector.shape_cast %get3A_110 : vector<1x16xf32> to vector<16xf32>
      %add3A_112 = arith.addf %mul3A_107, %get3A_111 : vector<16xf32>
      %mul3A_113 = arith.constant 2.000000e-05 : f32
      %mul3A_114 = vector.broadcast %mul3A_113 : f32 to vector<16xf32>
      %mul3A_115 = arith.mulf %add3A_112, %mul3A_114 : vector<16xf32>
      %swap3A_116 = arith.index_cast %scan3A_62 : i32 to index
      %swap3A_117 = arith.constant 32 : index
      %swap3A_118 = tpu.vector_load %arg8[%swap3A_116, %swap3A_117] {strides = array<i32>} : memref<128x128xf32, #tpu.memory_space<vmem>>, vector<1x16xf32>,
      %swap3A_119 = vector.shape_cast %swap3A_118 : vector<1x16xf32> to vector<16xf32>
      %swap3A_120 = vector.shape_cast %mul3A_115 : vector<16xf32> to vector<1x16xf32>
      tpu.vector_store %arg8[%swap3A_116, %swap3A_117], %swap3A_120 {strides = array<i32>} : memref<128x128xf32, #tpu.memory_space<vmem>>, vector<1x16xf32>,
      %get3A_121 = arith.index_cast %scan3A_62 : i32 to index
      %get3A_122 = arith.constant 48 : index
      %get3A_123 = tpu.vector_load %arg8[%get3A_121, %get3A_122] {strides = array<i32>} : memref<128x128xf32, #tpu.memory_space<vmem>>, vector<1x16xf32>,
      %get3A_124 = vector.shape_cast %get3A_123 : vector<1x16xf32> to vector<16xf32>
      %mul3A_125 = arith.constant 4.999900e+04 : f32
      %mul3A_126 = vector.broadcast %mul3A_125 : f32 to vector<16xf32>
      %mul3A_127 = arith.mulf %get3A_124, %mul3A_126 : vector<16xf32>
      %get3A_128 = arith.index_cast %scan3A_62 : i32 to index
      %get3A_129 = arith.constant 48 : index
      %get3A_130 = tpu.vector_load %arg10[%get3A_128, %get3A_129] {strides = array<i32>} : memref<128x128xf32, #tpu.memory_space<vmem>>, vector<1x16xf32>,
      %get3A_131 = vector.shape_cast %get3A_130 : vector<1x16xf32> to vector<16xf32>
      %add3A_132 = arith.addf %mul3A_127, %get3A_131 : vector<16xf32>
      %mul3A_133 = arith.constant 2.000000e-05 : f32
      %mul3A_134 = vector.broadcast %mul3A_133 : f32 to vector<16xf32>
      %mul3A_135 = arith.mulf %add3A_132, %mul3A_134 : vector<16xf32>
      %swap3A_136 = arith.index_cast %scan3A_62 : i32 to index
      %swap3A_137 = arith.constant 48 : index
      %swap3A_138 = tpu.vector_load %arg8[%swap3A_136, %swap3A_137] {strides = array<i32>} : memref<128x128xf32, #tpu.memory_space<vmem>>, vector<1x16xf32>,
      %swap3A_139 = vector.shape_cast %swap3A_138 : vector<1x16xf32> to vector<16xf32>
      %swap3A_140 = vector.shape_cast %mul3A_135 : vector<16xf32> to vector<1x16xf32>
      tpu.vector_store %arg8[%swap3A_136, %swap3A_137], %swap3A_140 {strides = array<i32>} : memref<128x128xf32, #tpu.memory_space<vmem>>, vector<1x16xf32>,
      %get3A_141 = arith.index_cast %scan3A_62 : i32 to index
      %get3A_142 = arith.constant 64 : index
      %get3A_143 = tpu.vector_load %arg8[%get3A_141, %get3A_142] {strides = array<i32>} : memref<128x128xf32, #tpu.memory_space<vmem>>, vector<1x16xf32>,
      %get3A_144 = vector.shape_cast %get3A_143 : vector<1x16xf32> to vector<16xf32>
      %mul3A_145 = arith.constant 4.999900e+04 : f32
      %mul3A_146 = vector.broadcast %mul3A_145 : f32 to vector<16xf32>
      %mul3A_147 = arith.mulf %get3A_144, %mul3A_146 : vector<16xf32>
      %get3A_148 = arith.index_cast %scan3A_62 : i32 to index
      %get3A_149 = arith.constant 64 : index
      %get3A_150 = tpu.vector_load %arg10[%get3A_148, %get3A_149] {strides = array<i32>} : memref<128x128xf32, #tpu.memory_space<vmem>>, vector<1x16xf32>,
      %get3A_151 = vector.shape_cast %get3A_150 : vector<1x16xf32> to vector<16xf32>
      %add3A_152 = arith.addf %mul3A_147, %get3A_151 : vector<16xf32>
      %mul3A_153 = arith.constant 2.000000e-05 : f32
      %mul3A_154 = vector.broadcast %mul3A_153 : f32 to vector<16xf32>
      %mul3A_155 = arith.mulf %add3A_152, %mul3A_154 : vector<16xf32>
      %swap3A_156 = arith.index_cast %scan3A_62 : i32 to index
      %swap3A_157 = arith.constant 64 : index
      %swap3A_158 = tpu.vector_load %arg8[%swap3A_156, %swap3A_157] {strides = array<i32>} : memref<128x128xf32, #tpu.memory_space<vmem>>, vector<1x16xf32>,
      %swap3A_159 = vector.shape_cast %swap3A_158 : vector<1x16xf32> to vector<16xf32>
      %swap3A_160 = vector.shape_cast %mul3A_155 : vector<16xf32> to vector<1x16xf32>
      tpu.vector_store %arg8[%swap3A_156, %swap3A_157], %swap3A_160 {strides = array<i32>} : memref<128x128xf32, #tpu.memory_space<vmem>>, vector<1x16xf32>,
      %get3A_161 = arith.index_cast %scan3A_62 : i32 to index
      %get3A_162 = arith.constant 80 : index
      %get3A_163 = tpu.vector_load %arg8[%get3A_161, %get3A_162] {strides = array<i32>} : memref<128x128xf32, #tpu.memory_space<vmem>>, vector<1x16xf32>,
      %get3A_164 = vector.shape_cast %get3A_163 : vector<1x16xf32> to vector<16xf32>
      %mul3A_165 = arith.constant 4.999900e+04 : f32
      %mul3A_166 = vector.broadcast %mul3A_165 : f32 to vector<16xf32>
      %mul3A_167 = arith.mulf %get3A_164, %mul3A_166 : vector<16xf32>
      %get3A_168 = arith.index_cast %scan3A_62 : i32 to index
      %get3A_169 = arith.constant 80 : index
      %get3A_170 = tpu.vector_load %arg10[%get3A_168, %get3A_169] {strides = array<i32>} : memref<128x128xf32, #tpu.memory_space<vmem>>, vector<1x16xf32>,
      %get3A_171 = vector.shape_cast %get3A_170 : vector<1x16xf32> to vector<16xf32>
      %add3A_172 = arith.addf %mul3A_167, %get3A_171 : vector<16xf32>
      %mul3A_173 = arith.constant 2.000000e-05 : f32
      %mul3A_174 = vector.broadcast %mul3A_173 : f32 to vector<16xf32>
      %mul3A_175 = arith.mulf %add3A_172, %mul3A_174 : vector<16xf32>
      %swap3A_176 = arith.index_cast %scan3A_62 : i32 to index
      %swap3A_177 = arith.constant 80 : index
      %swap3A_178 = tpu.vector_load %arg8[%swap3A_176, %swap3A_177] {strides = array<i32>} : memref<128x128xf32, #tpu.memory_space<vmem>>, vector<1x16xf32>,
      %swap3A_179 = vector.shape_cast %swap3A_178 : vector<1x16xf32> to vector<16xf32>
      %swap3A_180 = vector.shape_cast %mul3A_175 : vector<16xf32> to vector<1x16xf32>
      tpu.vector_store %arg8[%swap3A_176, %swap3A_177], %swap3A_180 {strides = array<i32>} : memref<128x128xf32, #tpu.memory_space<vmem>>, vector<1x16xf32>,
      %get3A_181 = arith.index_cast %scan3A_62 : i32 to index
      %get3A_182 = arith.constant 96 : index
      %get3A_183 = tpu.vector_load %arg8[%get3A_181, %get3A_182] {strides = array<i32>} : memref<128x128xf32, #tpu.memory_space<vmem>>, vector<1x16xf32>,
      %get3A_184 = vector.shape_cast %get3A_183 : vector<1x16xf32> to vector<16xf32>
      %mul3A_185 = arith.constant 4.999900e+04 : f32
      %mul3A_186 = vector.broadcast %mul3A_185 : f32 to vector<16xf32>
      %mul3A_187 = arith.mulf %get3A_184, %mul3A_186 : vector<16xf32>
      %get3A_188 = arith.index_cast %scan3A_62 : i32 to index
      %get3A_189 = arith.constant 96 : index
      %get3A_190 = tpu.vector_load %arg10[%get3A_188, %get3A_189] {strides = array<i32>} : memref<128x128xf32, #tpu.memory_space<vmem>>, vector<1x16xf32>,
      %get3A_191 = vector.shape_cast %get3A_190 : vector<1x16xf32> to vector<16xf32>
      %add3A_192 = arith.addf %mul3A_187, %get3A_191 : vector<16xf32>
      %mul3A_193 = arith.constant 2.000000e-05 : f32
      %mul3A_194 = vector.broadcast %mul3A_193 : f32 to vector<16xf32>
      %mul3A_195 = arith.mulf %add3A_192, %mul3A_194 : vector<16xf32>
      %swap3A_196 = arith.index_cast %scan3A_62 : i32 to index
      %swap3A_197 = arith.constant 96 : index
      %swap3A_198 = tpu.vector_load %arg8[%swap3A_196, %swap3A_197] {strides = array<i32>} : memref<128x128xf32, #tpu.memory_space<vmem>>, vector<1x16xf32>,
      %swap3A_199 = vector.shape_cast %swap3A_198 : vector<1x16xf32> to vector<16xf32>
      %swap3A_200 = vector.shape_cast %mul3A_195 : vector<16xf32> to vector<1x16xf32>
      tpu.vector_store %arg8[%swap3A_196, %swap3A_197], %swap3A_200 {strides = array<i32>} : memref<128x128xf32, #tpu.memory_space<vmem>>, vector<1x16xf32>,
      %get3A_201 = arith.index_cast %scan3A_62 : i32 to index
      %get3A_202 = arith.constant 112 : index
      %get3A_203 = tpu.vector_load %arg8[%get3A_201, %get3A_202] {strides = array<i32>} : memref<128x128xf32, #tpu.memory_space<vmem>>, vector<1x16xf32>,
      %get3A_204 = vector.shape_cast %get3A_203 : vector<1x16xf32> to vector<16xf32>
      %mul3A_205 = arith.constant 4.999900e+04 : f32
      %mul3A_206 = vector.broadcast %mul3A_205 : f32 to vector<16xf32>
      %mul3A_207 = arith.mulf %get3A_204, %mul3A_206 : vector<16xf32>
      %get3A_208 = arith.index_cast %scan3A_62 : i32 to index
      %get3A_209 = arith.constant 112 : index
      %get3A_210 = tpu.vector_load %arg10[%get3A_208, %get3A_209] {strides = array<i32>} : memref<128x128xf32, #tpu.memory_space<vmem>>, vector<1x16xf32>,
      %get3A_211 = vector.shape_cast %get3A_210 : vector<1x16xf32> to vector<16xf32>
      %add3A_212 = arith.addf %mul3A_207, %get3A_211 : vector<16xf32>
      %mul3A_213 = arith.constant 2.000000e-05 : f32
      %mul3A_214 = vector.broadcast %mul3A_213 : f32 to vector<16xf32>
      %mul3A_215 = arith.mulf %add3A_212, %mul3A_214 : vector<16xf32>
      %swap3A_216 = arith.index_cast %scan3A_62 : i32 to index
      %swap3A_217 = arith.constant 112 : index
      %swap3A_218 = tpu.vector_load %arg8[%swap3A_216, %swap3A_217] {strides = array<i32>} : memref<128x128xf32, #tpu.memory_space<vmem>>, vector<1x16xf32>,
      %swap3A_219 = vector.shape_cast %swap3A_218 : vector<1x16xf32> to vector<16xf32>
      %swap3A_220 = vector.shape_cast %mul3A_215 : vector<16xf32> to vector<1x16xf32>
      tpu.vector_store %arg8[%swap3A_216, %swap3A_217], %swap3A_220 {strides = array<i32>} : memref<128x128xf32, #tpu.memory_space<vmem>>, vector<1x16xf32>,
    }
    %scan3A_36 = arith.constant 128 : i32
    %dma_start3A_37 = arith.constant 0 : i32
    %dma_start3A_38 = arith.constant 0 : i32
    %dma_start3A_39 = tpu.memref_slice %arg5[%dma_start3A_37, %dma_start3A_38] : memref<4096x128xf32, #tpu.memory_space<hbm>> -> memref<4096x128xf32, #tpu.memory_space<hbm>>
    tpu.enqueue_indirect_dma source(%arg8 : memref<128x128xf32, #tpu.memory_space<vmem>>) target(%dma_start3A_39 : memref<4096x128xf32, #tpu.memory_space<hbm>>) offsets(%arg6 : memref<128xi32, #tpu.memory_space<vmem>>) semaphore(%arg17 : memref<!tpu.dma_semaphore, #tpu.memory_space<semaphore_mem>>)
    %dma_wait3A_40 = arith.constant 0 : i32
    %dma_wait3A_41 = arith.constant 0 : i32
    %dma_wait3A_42 = tpu.memref_slice %arg2[%dma_wait3A_40, %dma_wait3A_41] : memref<4096x128xf32, #tpu.memory_space<hbm>> -> memref<4096x128xf32, #tpu.memory_space<hbm>>
    tpu.wait_indirect_dma semaphore(%arg14 : memref<!tpu.dma_semaphore, #tpu.memory_space<semaphore_mem>>) src(%dma_wait3A_42 : memref<4096x128xf32, #tpu.memory_space<hbm>>) dst(%arg9 : memref<128x128xf32, #tpu.memory_space<vmem>>)
    %dma_wait3A_43 = arith.constant 0 : i32
    %dma_wait3A_44 = tpu.memref_slice %arg3[%add3A_19, %dma_wait3A_43] : memref<8192x128xf32, #tpu.memory_space<hbm>> -> memref<128x128xf32, #tpu.memory_space<hbm>>
    %dma_wait3A_45 = arith.constant 0 : i32
    %dma_wait3A_46 = tpu.memref_slice %arg3[%add3A_19, %dma_wait3A_45] : memref<8192x128xf32, #tpu.memory_space<hbm>> -> memref<128x128xf32, #tpu.memory_space<hbm>>
    tpu.wait_dma2 semaphore(%arg16 : memref<!tpu.dma_semaphore, #tpu.memory_space<semaphore_mem>>) src(%dma_wait3A_46 : memref<128x128xf32, #tpu.memory_space<hbm>>) dst(%arg11 : memref<128x128xf32, #tpu.memory_space<vmem>>)
    %scan3A_47 = arith.constant 0 : i32
    %scan3A_48 = arith.constant 0 : i32
    %scan3A_49 = arith.constant 128 : i32
    %scan3A_50 = arith.addi %scan3A_48, %scan3A_49 : i32
    %scan3A_51 = arith.constant 1 : i32
    scf.for %scan3A_62 = %scan3A_48 to %scan3A_50 step %scan3A_51  : i32 {
      %get3A = arith.index_cast %scan3A_62 : i32 to index
      %get3A_63 = arith.constant 0 : index
      %get3A_64 = tpu.vector_load %arg9[%get3A, %get3A_63] {strides = array<i32>} : memref<128x128xf32, #tpu.memory_space<vmem>>, vector<1x16xf32>,
      %get3A_65 = vector.shape_cast %get3A_64 : vector<1x16xf32> to vector<16xf32>
      %mul3A_66 = arith.constant 4.999900e+04 : f32
      %mul3A_67 = vector.broadcast %mul3A_66 : f32 to vector<16xf32>
      %mul3A_68 = arith.mulf %get3A_65, %mul3A_67 : vector<16xf32>
      %get3A_69 = arith.index_cast %scan3A_62 : i32 to index
      %get3A_70 = arith.constant 0 : index
      %get3A_71 = tpu.vector_load %arg11[%get3A_69, %get3A_70] {strides = array<i32>} : memref<128x128xf32, #tpu.memory_space<vmem>>, vector<1x16xf32>,
      %get3A_72 = vector.shape_cast %get3A_71 : vector<1x16xf32> to vector<16xf32>
      %add3A_73 = arith.addf %mul3A_68, %get3A_72 : vector<16xf32>
      %mul3A_74 = arith.constant 2.000000e-05 : f32
      %mul3A_75 = vector.broadcast %mul3A_74 : f32 to vector<16xf32>
      %mul3A_76 = arith.mulf %add3A_73, %mul3A_75 : vector<16xf32>
      %swap3A = arith.index_cast %scan3A_62 : i32 to index
      %swap3A_77 = arith.constant 0 : index
      %swap3A_78 = tpu.vector_load %arg9[%swap3A, %swap3A_77] {strides = array<i32>} : memref<128x128xf32, #tpu.memory_space<vmem>>, vector<1x16xf32>,
      %swap3A_79 = vector.shape_cast %swap3A_78 : vector<1x16xf32> to vector<16xf32>
      %swap3A_80 = vector.shape_cast %mul3A_76 : vector<16xf32> to vector<1x16xf32>
      tpu.vector_store %arg9[%swap3A, %swap3A_77], %swap3A_80 {strides = array<i32>} : memref<128x128xf32, #tpu.memory_space<vmem>>, vector<1x16xf32>,
      %get3A_81 = arith.index_cast %scan3A_62 : i32 to index
      %get3A_82 = arith.constant 16 : index
      %get3A_83 = tpu.vector_load %arg9[%get3A_81, %get3A_82] {strides = array<i32>} : memref<128x128xf32, #tpu.memory_space<vmem>>, vector<1x16xf32>,
      %get3A_84 = vector.shape_cast %get3A_83 : vector<1x16xf32> to vector<16xf32>
      %mul3A_85 = arith.constant 4.999900e+04 : f32
      %mul3A_86 = vector.broadcast %mul3A_85 : f32 to vector<16xf32>
      %mul3A_87 = arith.mulf %get3A_84, %mul3A_86 : vector<16xf32>
      %get3A_88 = arith.index_cast %scan3A_62 : i32 to index
      %get3A_89 = arith.constant 16 : index
      %get3A_90 = tpu.vector_load %arg11[%get3A_88, %get3A_89] {strides = array<i32>} : memref<128x128xf32, #tpu.memory_space<vmem>>, vector<1x16xf32>,
      %get3A_91 = vector.shape_cast %get3A_90 : vector<1x16xf32> to vector<16xf32>
      %add3A_92 = arith.addf %mul3A_87, %get3A_91 : vector<16xf32>
      %mul3A_93 = arith.constant 2.000000e-05 : f32
      %mul3A_94 = vector.broadcast %mul3A_93 : f32 to vector<16xf32>
      %mul3A_95 = arith.mulf %add3A_92, %mul3A_94 : vector<16xf32>
      %swap3A_96 = arith.index_cast %scan3A_62 : i32 to index
      %swap3A_97 = arith.constant 16 : index
      %swap3A_98 = tpu.vector_load %arg9[%swap3A_96, %swap3A_97] {strides = array<i32>} : memref<128x128xf32, #tpu.memory_space<vmem>>, vector<1x16xf32>,
      %swap3A_99 = vector.shape_cast %swap3A_98 : vector<1x16xf32> to vector<16xf32>
      %swap3A_100 = vector.shape_cast %mul3A_95 : vector<16xf32> to vector<1x16xf32>
      tpu.vector_store %arg9[%swap3A_96, %swap3A_97], %swap3A_100 {strides = array<i32>} : memref<128x128xf32, #tpu.memory_space<vmem>>, vector<1x16xf32>,
      %get3A_101 = arith.index_cast %scan3A_62 : i32 to index
      %get3A_102 = arith.constant 32 : index
      %get3A_103 = tpu.vector_load %arg9[%get3A_101, %get3A_102] {strides = array<i32>} : memref<128x128xf32, #tpu.memory_space<vmem>>, vector<1x16xf32>,
      %get3A_104 = vector.shape_cast %get3A_103 : vector<1x16xf32> to vector<16xf32>
      %mul3A_105 = arith.constant 4.999900e+04 : f32
      %mul3A_106 = vector.broadcast %mul3A_105 : f32 to vector<16xf32>
      %mul3A_107 = arith.mulf %get3A_104, %mul3A_106 : vector<16xf32>
      %get3A_108 = arith.index_cast %scan3A_62 : i32 to index
      %get3A_109 = arith.constant 32 : index
      %get3A_110 = tpu.vector_load %arg11[%get3A_108, %get3A_109] {strides = array<i32>} : memref<128x128xf32, #tpu.memory_space<vmem>>, vector<1x16xf32>,
      %get3A_111 = vector.shape_cast %get3A_110 : vector<1x16xf32> to vector<16xf32>
      %add3A_112 = arith.addf %mul3A_107, %get3A_111 : vector<16xf32>
      %mul3A_113 = arith.constant 2.000000e-05 : f32
      %mul3A_114 = vector.broadcast %mul3A_113 : f32 to vector<16xf32>
      %mul3A_115 = arith.mulf %add3A_112, %mul3A_114 : vector<16xf32>
      %swap3A_116 = arith.index_cast %scan3A_62 : i32 to index
      %swap3A_117 = arith.constant 32 : index
      %swap3A_118 = tpu.vector_load %arg9[%swap3A_116, %swap3A_117] {strides = array<i32>} : memref<128x128xf32, #tpu.memory_space<vmem>>, vector<1x16xf32>,
      %swap3A_119 = vector.shape_cast %swap3A_118 : vector<1x16xf32> to vector<16xf32>
      %swap3A_120 = vector.shape_cast %mul3A_115 : vector<16xf32> to vector<1x16xf32>
      tpu.vector_store %arg9[%swap3A_116, %swap3A_117], %swap3A_120 {strides = array<i32>} : memref<128x128xf32, #tpu.memory_space<vmem>>, vector<1x16xf32>,
      %get3A_121 = arith.index_cast %scan3A_62 : i32 to index
      %get3A_122 = arith.constant 48 : index
      %get3A_123 = tpu.vector_load %arg9[%get3A_121, %get3A_122] {strides = array<i32>} : memref<128x128xf32, #tpu.memory_space<vmem>>, vector<1x16xf32>,
      %get3A_124 = vector.shape_cast %get3A_123 : vector<1x16xf32> to vector<16xf32>
      %mul3A_125 = arith.constant 4.999900e+04 : f32
      %mul3A_126 = vector.broadcast %mul3A_125 : f32 to vector<16xf32>
      %mul3A_127 = arith.mulf %get3A_124, %mul3A_126 : vector<16xf32>
      %get3A_128 = arith.index_cast %scan3A_62 : i32 to index
      %get3A_129 = arith.constant 48 : index
      %get3A_130 = tpu.vector_load %arg11[%get3A_128, %get3A_129] {strides = array<i32>} : memref<128x128xf32, #tpu.memory_space<vmem>>, vector<1x16xf32>,
      %get3A_131 = vector.shape_cast %get3A_130 : vector<1x16xf32> to vector<16xf32>
      %add3A_132 = arith.addf %mul3A_127, %get3A_131 : vector<16xf32>
      %mul3A_133 = arith.constant 2.000000e-05 : f32
      %mul3A_134 = vector.broadcast %mul3A_133 : f32 to vector<16xf32>
      %mul3A_135 = arith.mulf %add3A_132, %mul3A_134 : vector<16xf32>
      %swap3A_136 = arith.index_cast %scan3A_62 : i32 to index
      %swap3A_137 = arith.constant 48 : index
      %swap3A_138 = tpu.vector_load %arg9[%swap3A_136, %swap3A_137] {strides = array<i32>} : memref<128x128xf32, #tpu.memory_space<vmem>>, vector<1x16xf32>,
      %swap3A_139 = vector.shape_cast %swap3A_138 : vector<1x16xf32> to vector<16xf32>
      %swap3A_140 = vector.shape_cast %mul3A_135 : vector<16xf32> to vector<1x16xf32>
      tpu.vector_store %arg9[%swap3A_136, %swap3A_137], %swap3A_140 {strides = array<i32>} : memref<128x128xf32, #tpu.memory_space<vmem>>, vector<1x16xf32>,
      %get3A_141 = arith.index_cast %scan3A_62 : i32 to index
      %get3A_142 = arith.constant 64 : index
      %get3A_143 = tpu.vector_load %arg9[%get3A_141, %get3A_142] {strides = array<i32>} : memref<128x128xf32, #tpu.memory_space<vmem>>, vector<1x16xf32>,
      %get3A_144 = vector.shape_cast %get3A_143 : vector<1x16xf32> to vector<16xf32>
      %mul3A_145 = arith.constant 4.999900e+04 : f32
      %mul3A_146 = vector.broadcast %mul3A_145 : f32 to vector<16xf32>
      %mul3A_147 = arith.mulf %get3A_144, %mul3A_146 : vector<16xf32>
      %get3A_148 = arith.index_cast %scan3A_62 : i32 to index
      %get3A_149 = arith.constant 64 : index
      %get3A_150 = tpu.vector_load %arg11[%get3A_148, %get3A_149] {strides = array<i32>} : memref<128x128xf32, #tpu.memory_space<vmem>>, vector<1x16xf32>,
      %get3A_151 = vector.shape_cast %get3A_150 : vector<1x16xf32> to vector<16xf32>
      %add3A_152 = arith.addf %mul3A_147, %get3A_151 : vector<16xf32>
      %mul3A_153 = arith.constant 2.000000e-05 : f32
      %mul3A_154 = vector.broadcast %mul3A_153 : f32 to vector<16xf32>
      %mul3A_155 = arith.mulf %add3A_152, %mul3A_154 : vector<16xf32>
      %swap3A_156 = arith.index_cast %scan3A_62 : i32 to index
      %swap3A_157 = arith.constant 64 : index
      %swap3A_158 = tpu.vector_load %arg9[%swap3A_156, %swap3A_157] {strides = array<i32>} : memref<128x128xf32, #tpu.memory_space<vmem>>, vector<1x16xf32>,
      %swap3A_159 = vector.shape_cast %swap3A_158 : vector<1x16xf32> to vector<16xf32>
      %swap3A_160 = vector.shape_cast %mul3A_155 : vector<16xf32> to vector<1x16xf32>
      tpu.vector_store %arg9[%swap3A_156, %swap3A_157], %swap3A_160 {strides = array<i32>} : memref<128x128xf32, #tpu.memory_space<vmem>>, vector<1x16xf32>,
      %get3A_161 = arith.index_cast %scan3A_62 : i32 to index
      %get3A_162 = arith.constant 80 : index
      %get3A_163 = tpu.vector_load %arg9[%get3A_161, %get3A_162] {strides = array<i32>} : memref<128x128xf32, #tpu.memory_space<vmem>>, vector<1x16xf32>,
      %get3A_164 = vector.shape_cast %get3A_163 : vector<1x16xf32> to vector<16xf32>
      %mul3A_165 = arith.constant 4.999900e+04 : f32
      %mul3A_166 = vector.broadcast %mul3A_165 : f32 to vector<16xf32>
      %mul3A_167 = arith.mulf %get3A_164, %mul3A_166 : vector<16xf32>
      %get3A_168 = arith.index_cast %scan3A_62 : i32 to index
      %get3A_169 = arith.constant 80 : index
      %get3A_170 = tpu.vector_load %arg11[%get3A_168, %get3A_169] {strides = array<i32>} : memref<128x128xf32, #tpu.memory_space<vmem>>, vector<1x16xf32>,
      %get3A_171 = vector.shape_cast %get3A_170 : vector<1x16xf32> to vector<16xf32>
      %add3A_172 = arith.addf %mul3A_167, %get3A_171 : vector<16xf32>
      %mul3A_173 = arith.constant 2.000000e-05 : f32
      %mul3A_174 = vector.broadcast %mul3A_173 : f32 to vector<16xf32>
      %mul3A_175 = arith.mulf %add3A_172, %mul3A_174 : vector<16xf32>
      %swap3A_176 = arith.index_cast %scan3A_62 : i32 to index
      %swap3A_177 = arith.constant 80 : index
      %swap3A_178 = tpu.vector_load %arg9[%swap3A_176, %swap3A_177] {strides = array<i32>} : memref<128x128xf32, #tpu.memory_space<vmem>>, vector<1x16xf32>,
      %swap3A_179 = vector.shape_cast %swap3A_178 : vector<1x16xf32> to vector<16xf32>
      %swap3A_180 = vector.shape_cast %mul3A_175 : vector<16xf32> to vector<1x16xf32>
      tpu.vector_store %arg9[%swap3A_176, %swap3A_177], %swap3A_180 {strides = array<i32>} : memref<128x128xf32, #tpu.memory_space<vmem>>, vector<1x16xf32>,
      %get3A_181 = arith.index_cast %scan3A_62 : i32 to index
      %get3A_182 = arith.constant 96 : index
      %get3A_183 = tpu.vector_load %arg9[%get3A_181, %get3A_182] {strides = array<i32>} : memref<128x128xf32, #tpu.memory_space<vmem>>, vector<1x16xf32>,
      %get3A_184 = vector.shape_cast %get3A_183 : vector<1x16xf32> to vector<16xf32>
      %mul3A_185 = arith.constant 4.999900e+04 : f32
      %mul3A_186 = vector.broadcast %mul3A_185 : f32 to vector<16xf32>
      %mul3A_187 = arith.mulf %get3A_184, %mul3A_186 : vector<16xf32>
      %get3A_188 = arith.index_cast %scan3A_62 : i32 to index
      %get3A_189 = arith.constant 96 : index
      %get3A_190 = tpu.vector_load %arg11[%get3A_188, %get3A_189] {strides = array<i32>} : memref<128x128xf32, #tpu.memory_space<vmem>>, vector<1x16xf32>,
      %get3A_191 = vector.shape_cast %get3A_190 : vector<1x16xf32> to vector<16xf32>
      %add3A_192 = arith.addf %mul3A_187, %get3A_191 : vector<16xf32>
      %mul3A_193 = arith.constant 2.000000e-05 : f32
      %mul3A_194 = vector.broadcast %mul3A_193 : f32 to vector<16xf32>
      %mul3A_195 = arith.mulf %add3A_192, %mul3A_194 : vector<16xf32>
      %swap3A_196 = arith.index_cast %scan3A_62 : i32 to index
      %swap3A_197 = arith.constant 96 : index
      %swap3A_198 = tpu.vector_load %arg9[%swap3A_196, %swap3A_197] {strides = array<i32>} : memref<128x128xf32, #tpu.memory_space<vmem>>, vector<1x16xf32>,
      %swap3A_199 = vector.shape_cast %swap3A_198 : vector<1x16xf32> to vector<16xf32>
      %swap3A_200 = vector.shape_cast %mul3A_195 : vector<16xf32> to vector<1x16xf32>
      tpu.vector_store %arg9[%swap3A_196, %swap3A_197], %swap3A_200 {strides = array<i32>} : memref<128x128xf32, #tpu.memory_space<vmem>>, vector<1x16xf32>,
      %get3A_201 = arith.index_cast %scan3A_62 : i32 to index
      %get3A_202 = arith.constant 112 : index
      %get3A_203 = tpu.vector_load %arg9[%get3A_201, %get3A_202] {strides = array<i32>} : memref<128x128xf32, #tpu.memory_space<vmem>>, vector<1x16xf32>,
      %get3A_204 = vector.shape_cast %get3A_203 : vector<1x16xf32> to vector<16xf32>
      %mul3A_205 = arith.constant 4.999900e+04 : f32
      %mul3A_206 = vector.broadcast %mul3A_205 : f32 to vector<16xf32>
      %mul3A_207 = arith.mulf %get3A_204, %mul3A_206 : vector<16xf32>
      %get3A_208 = arith.index_cast %scan3A_62 : i32 to index
      %get3A_209 = arith.constant 112 : index
      %get3A_210 = tpu.vector_load %arg11[%get3A_208, %get3A_209] {strides = array<i32>} : memref<128x128xf32, #tpu.memory_space<vmem>>, vector<1x16xf32>,
      %get3A_211 = vector.shape_cast %get3A_210 : vector<1x16xf32> to vector<16xf32>
      %add3A_212 = arith.addf %mul3A_207, %get3A_211 : vector<16xf32>
      %mul3A_213 = arith.constant 2.000000e-05 : f32
      %mul3A_214 = vector.broadcast %mul3A_213 : f32 to vector<16xf32>
      %mul3A_215 = arith.mulf %add3A_212, %mul3A_214 : vector<16xf32>
      %swap3A_216 = arith.index_cast %scan3A_62 : i32 to index
      %swap3A_217 = arith.constant 112 : index
      %swap3A_218 = tpu.vector_load %arg9[%swap3A_216, %swap3A_217] {strides = array<i32>} : memref<128x128xf32, #tpu.memory_space<vmem>>, vector<1x16xf32>,
      %swap3A_219 = vector.shape_cast %swap3A_218 : vector<1x16xf32> to vector<16xf32>
      %swap3A_220 = vector.shape_cast %mul3A_215 : vector<16xf32> to vector<1x16xf32>
      tpu.vector_store %arg9[%swap3A_216, %swap3A_217], %swap3A_220 {strides = array<i32>} : memref<128x128xf32, #tpu.memory_space<vmem>>, vector<1x16xf32>,
    }
    %scan3A_52 = arith.constant 128 : i32
    %dma_wait3A_53 = arith.constant 0 : i32
    %dma_wait3A_54 = arith.constant 0 : i32
    %dma_wait3A_55 = tpu.memref_slice %arg5[%dma_wait3A_53, %dma_wait3A_54] : memref<4096x128xf32, #tpu.memory_space<hbm>> -> memref<4096x128xf32, #tpu.memory_space<hbm>>
    tpu.wait_indirect_dma semaphore(%arg17 : memref<!tpu.dma_semaphore, #tpu.memory_space<semaphore_mem>>) src(%arg8 : memref<128x128xf32, #tpu.memory_space<vmem>>) dst(%dma_wait3A_55 : memref<4096x128xf32, #tpu.memory_space<hbm>>)
    %dma_start3A_56 = arith.constant 0 : i32
    %dma_start3A_57 = arith.constant 0 : i32
    %dma_start3A_58 = tpu.memref_slice %arg5[%dma_start3A_56, %dma_start3A_57] : memref<4096x128xf32, #tpu.memory_space<hbm>> -> memref<4096x128xf32, #tpu.memory_space<hbm>>
    tpu.enqueue_indirect_dma source(%arg9 : memref<128x128xf32, #tpu.memory_space<vmem>>) target(%dma_start3A_58 : memref<4096x128xf32, #tpu.memory_space<hbm>>) offsets(%arg7 : memref<128xi32, #tpu.memory_space<vmem>>) semaphore(%arg17 : memref<!tpu.dma_semaphore, #tpu.memory_space<semaphore_mem>>)
    %dma_wait3A_59 = arith.constant 0 : i32
    %dma_wait3A_60 = arith.constant 0 : i32
    %dma_wait3A_61 = tpu.memref_slice %arg5[%dma_wait3A_59, %dma_wait3A_60] : memref<4096x128xf32, #tpu.memory_space<hbm>> -> memref<4096x128xf32, #tpu.memory_space<hbm>>
    tpu.wait_indirect_dma semaphore(%arg17 : memref<!tpu.dma_semaphore, #tpu.memory_space<semaphore_mem>>) src(%arg9 : memref<128x128xf32, #tpu.memory_space<vmem>>) dst(%dma_wait3A_61 : memref<4096x128xf32, #tpu.memory_space<hbm>>)
    return
  }
}

module attributes {stable_mosaic.version = 14 : i64} {
  func.func @_prep_body(%arg0: memref<4096x128xf32, #tpu.memory_space<vmem>>, %arg1: memref<4x128xf32, #tpu.memory_space<vmem>>, %arg2: memref<4096x128xf32, #tpu.memory_space<vmem>>, %arg3: memref<32x128xf32, #tpu.memory_space<vmem>>) attributes {dimension_semantics = [], scalar_prefetch = 0 : i64, scratch_operands = 0 : i64, tpu.core_type = #tpu.core_type<tc>} {
    %get3A = arith.constant 0 : index
    %get3A_0 = arith.constant 0 : index
    %get3A_1 = vector.load %arg0[%get3A, %get3A_0] : memref<4096x128xf32, #tpu.memory_space<vmem>>, vector<4096x128xf32>
    %mul3A = arith.mulf %get3A_1, %get3A_1 : vector<4096x128xf32>
    %reduce_sum3A = arith.constant dense<0.000000e+00> : vector<4096xf32>
    %reduce_sum3A_2 = vector.multi_reduction <add>, %mul3A, %reduce_sum3A [1] : vector<4096x128xf32> to vector<4096xf32>
    %broadcast_in_dim3A = vector.shape_cast %reduce_sum3A_2 : vector<4096xf32> to vector<4096x1xf32>
    %sqrt3A = math.sqrt %broadcast_in_dim3A : vector<4096x1xf32>
    %add3A = arith.constant 9.99999993E-9 : f32
    %add3A_3 = vector.broadcast %add3A : f32 to vector<4096x1xf32>
    %add3A_4 = arith.addf %sqrt3A, %add3A_3 : vector<4096x1xf32>
    %div3A = vector.broadcast %add3A_4 : vector<4096x1xf32> to vector<4096x128xf32>
    %div3A_5 = arith.divf %get3A_1, %div3A : vector<4096x128xf32>
    %swap3A = arith.constant 0 : index
    %swap3A_6 = arith.constant 0 : index
    %swap3A_7 = vector.load %arg2[%swap3A, %swap3A_6] : memref<4096x128xf32, #tpu.memory_space<vmem>>, vector<4096x128xf32>
    tpu.vector_store %arg2[%swap3A, %swap3A_6], %div3A_5 {strides = array<i32>} : memref<4096x128xf32, #tpu.memory_space<vmem>>, vector<4096x128xf32>,
    %get3A_8 = arith.constant 0 : index
    %get3A_9 = arith.constant 0 : index
    %get3A_10 = vector.load %arg1[%get3A_8, %get3A_9] : memref<4x128xf32, #tpu.memory_space<vmem>>, vector<4x128xf32>
    %dot_general3A = arith.constant dense<0.000000e+00> : vector<4096x4xf32>
    %dot_general3A_11 = tpu.matmul %get3A_1, %get3A_10, %dot_general3A {dimension_numbers = #tpu.dot_dimension_numbers<[1], [1], [0], [0], [0, 0, 1, 0], [], []>, transpose_lhs_hint = false} : vector<4096x128xf32>, vector<4x128xf32>, vector<4096x4xf32> -> vector<4096x4xf32>
    %reduce_max3A = arith.constant dense<0xFF800000> : vector<4096xf32>
    %reduce_max3A_12 = vector.multi_reduction <maximumf>, %dot_general3A_11, %reduce_max3A [1] : vector<4096x4xf32> to vector<4096xf32>
    %broadcast_in_dim3A_13 = vector.shape_cast %reduce_max3A_12 : vector<4096xf32> to vector<4096x1xf32>
    %reshape3A = vector.shape_cast %broadcast_in_dim3A_13 : vector<4096x1xf32> to vector<32x128xf32>
    %swap3A_14 = arith.constant 0 : index
    %swap3A_15 = arith.constant 0 : index
    %swap3A_16 = vector.load %arg3[%swap3A_14, %swap3A_15] : memref<32x128xf32, #tpu.memory_space<vmem>>, vector<32x128xf32>
    tpu.vector_store %arg3[%swap3A_14, %swap3A_15], %reshape3A {strides = array<i32>} : memref<32x128xf32, #tpu.memory_space<vmem>>, vector<32x128xf32>,
    return
  }
}

module attributes {stable_mosaic.version = 14 : i64} {
  func.func @_tc_b_body(%arg0: i32, %arg1: memref<512x128xf32, #tpu.memory_space<vmem>>, %arg2: memref<128x128xf32, #tpu.memory_space<vmem>>, %arg3: memref<1x128xf32, #tpu.memory_space<vmem>>, %arg4: memref<64x128xf32, #tpu.memory_space<vmem>>, %arg5: memref<512x128xf32, #tpu.memory_space<vmem>>) attributes {dimension_semantics = [#tpu.dimension_semantics<arbitrary>], iteration_bounds = array<i64: 16>, scalar_prefetch = 0 : i64, scratch_operands = 0 : i64, tpu.core_type = #tpu.core_type<tc>, window_params = [{transform_indices = @transform_0, window_bounds = array<i64: 512, 128>}, {pipeline_mode = #tpu.pipeline_mode<synchronous>, transform_indices = @transform_1, window_bounds = array<i64: 128, 128>}, {pipeline_mode = #tpu.pipeline_mode<synchronous>, transform_indices = @transform_2, window_bounds = array<i64: 1, 128>}, {pipeline_mode = #tpu.pipeline_mode<synchronous>, transform_indices = @transform_3, window_bounds = array<i64: 64, 128>}, {transform_indices = @transform_4, window_bounds = array<i64: 512, 128>}]} {
    %jit3A = arith.constant 4 : i32
    %eq3A = arith.constant 0 : i32
    %eq3A_0 = arith.cmpi eq, %jit3A, %eq3A : i32
    %jit3A_1 = arith.constant 1 : i32
    %select_n3A = arith.select %eq3A_0, %jit3A_1, %jit3A : i32
    %rem3A = arith.remsi %arg0, %select_n3A : i32
    %ne3A = arith.constant 0 : i32
    %ne3A_2 = arith.cmpi ne, %rem3A, %ne3A : i32
    %lt3A = arith.constant 0 : i32
    %lt3A_3 = arith.cmpi slt, %rem3A, %lt3A : i32
    %lt3A_4 = arith.constant 0 : i32
    %lt3A_5 = arith.cmpi slt, %select_n3A, %lt3A_4 : i32
    %ne3A_6 = arith.xori %lt3A_3, %lt3A_5 : i1
    %and3A = arith.andi %ne3A_6, %ne3A_2 : i1
    %add3A = arith.addi %rem3A, %select_n3A : i32
    %select_n3A_7 = arith.select %and3A, %add3A, %rem3A : i32
    %get3A = arith.constant 0 : index
    %get3A_8 = arith.constant 0 : index
    %get3A_9 = vector.load %arg1[%get3A, %get3A_8] : memref<512x128xf32, #tpu.memory_space<vmem>>, vector<512x128xf32>
    %get3A_10 = arith.constant 0 : index
    %get3A_11 = arith.constant 0 : index
    %get3A_12 = vector.load %arg2[%get3A_10, %get3A_11] : memref<128x128xf32, #tpu.memory_space<vmem>>, vector<128x128xf32>
    %dot_general3A = arith.constant dense<0.000000e+00> : vector<512x128xf32>
    %dot_general3A_13 = tpu.matmul %get3A_9, %get3A_12, %dot_general3A {dimension_numbers = #tpu.dot_dimension_numbers<[1], [0], [0], [1], [0, 0, 1, 1], [], []>, transpose_lhs_hint = false} : vector<512x128xf32>, vector<128x128xf32>, vector<512x128xf32> -> vector<512x128xf32>
    %get3A_14 = arith.constant 0 : index
    %get3A_15 = arith.constant 0 : index
    %get3A_16 = vector.load %arg3[%get3A_14, %get3A_15] : memref<1x128xf32, #tpu.memory_space<vmem>>, vector<1x128xf32>
    %add3A_17 = vector.broadcast %get3A_16 : vector<1x128xf32> to vector<512x128xf32>
    %add3A_18 = arith.addf %dot_general3A_13, %add3A_17 : vector<512x128xf32>
    %integer_pow3A = arith.mulf %add3A_18, %add3A_18 : vector<512x128xf32>
    %integer_pow3A_19 = arith.mulf %add3A_18, %integer_pow3A : vector<512x128xf32>
    %mul3A = arith.constant 4.471500e-02 : f32
    %mul3A_20 = vector.broadcast %mul3A : f32 to vector<512x128xf32>
    %mul3A_21 = arith.mulf %mul3A_20, %integer_pow3A_19 : vector<512x128xf32>
    %add3A_22 = arith.addf %add3A_18, %mul3A_21 : vector<512x128xf32>
    %mul3A_23 = arith.constant 0.797884583 : f32
    %mul3A_24 = vector.broadcast %mul3A_23 : f32 to vector<512x128xf32>
    %mul3A_25 = arith.mulf %mul3A_24, %add3A_22 : vector<512x128xf32>
    %tanh3A = math.tanh %mul3A_25 : vector<512x128xf32>
    %add3A_26 = arith.constant 1.000000e+00 : f32
    %add3A_27 = vector.broadcast %add3A_26 : f32 to vector<512x128xf32>
    %add3A_28 = arith.addf %add3A_27, %tanh3A : vector<512x128xf32>
    %mul3A_29 = arith.constant 5.000000e-01 : f32
    %mul3A_30 = vector.broadcast %mul3A_29 : f32 to vector<512x128xf32>
    %mul3A_31 = arith.mulf %mul3A_30, %add3A_28 : vector<512x128xf32>
    %mul3A_32 = arith.mulf %add3A_18, %mul3A_31 : vector<512x128xf32>
    %mul3A_33 = arith.constant 4 : i32
    %mul3A_34 = arith.muli %select_n3A_7, %mul3A_33 : i32
    %jit3A_35 = arith.constant 4 : i32
    %div3A = arith.divsi %arg0, %jit3A_35 : i32
    %sign3A = arith.constant 0 : i32
    %sign3A_36 = arith.cmpi sgt, %arg0, %sign3A : i32
    %sign3A_37 = arith.extui %sign3A_36 : i1 to i32
    %sign3A_38 = arith.constant 0 : i32
    %sign3A_39 = arith.cmpi slt, %arg0, %sign3A_38 : i32
    %sign3A_40 = arith.extui %sign3A_39 : i1 to i32
    %sign3A_41 = arith.subi %sign3A_37, %sign3A_40 : i32
    %sign3A_42 = arith.constant 0 : i32
    %sign3A_43 = arith.cmpi sgt, %jit3A_35, %sign3A_42 : i32
    %sign3A_44 = arith.extui %sign3A_43 : i1 to i32
    %sign3A_45 = arith.constant 0 : i32
    %sign3A_46 = arith.cmpi slt, %jit3A_35, %sign3A_45 : i32
    %sign3A_47 = arith.extui %sign3A_46 : i1 to i32
    %sign3A_48 = arith.subi %sign3A_44, %sign3A_47 : i32
    %ne3A_49 = arith.cmpi ne, %sign3A_41, %sign3A_48 : i32
    %rem3A_50 = arith.remsi %arg0, %jit3A_35 : i32
    %ne3A_51 = arith.constant 0 : i32
    %ne3A_52 = arith.cmpi ne, %rem3A_50, %ne3A_51 : i32
    %and3A_53 = arith.andi %ne3A_49, %ne3A_52 : i1
    %sub3A = arith.constant 1 : i32
    %sub3A_54 = arith.subi %div3A, %sub3A : i32
    %select_n3A_55 = arith.select %and3A_53, %sub3A_54, %div3A : i32
    %add3A_56 = arith.addi %mul3A_34, %select_n3A_55 : i32
    %mul3A_57 = arith.constant 4 : i32
    %mul3A_58 = arith.muli %add3A_56, %mul3A_57 : i32
    %get3A_59 = arith.index_cast %mul3A_58 : i32 to index
    %get3A_60 = arith.constant 0 : index
    %get3A_61 = vector.load %arg4[%get3A_59, %get3A_60] : memref<64x128xf32, #tpu.memory_space<vmem>>, vector<4x128xf32>
    %iota3A = tpu.iota {dimensions = array<i32: 0>} : vector<512x1xi32>
    %iota3A_62 = tpu.iota {dimensions = array<i32: 1>} : vector<1x4xi32>
    %shift_right_logical3A = arith.constant 7 : i32
    %shift_right_logical3A_63 = vector.broadcast %shift_right_logical3A : i32 to vector<512x1xi32>
    %shift_right_logical3A_64 = arith.shrui %iota3A, %shift_right_logical3A_63 : vector<512x1xi32>
    %eq3A_65 = vector.broadcast %iota3A_62 : vector<1x4xi32> to vector<512x4xi32>
    %eq3A_66 = vector.broadcast %shift_right_logical3A_64 : vector<512x1xi32> to vector<512x4xi32>
    %eq3A_67 = arith.cmpi eq, %eq3A_65, %eq3A_66 : vector<512x4xi32>
    %convert_element_type3A = arith.extui %eq3A_67 : vector<512x4xi1> to vector<512x4xi32>
    %convert_element_type3A_68 = arith.sitofp %convert_element_type3A : vector<512x4xi32> to vector<512x4xf32>
    %dot_general3A_69 = arith.constant dense<0.000000e+00> : vector<512x128xf32>
    %dot_general3A_70 = tpu.matmul %convert_element_type3A_68, %get3A_61, %dot_general3A_69 {dimension_numbers = #tpu.dot_dimension_numbers<[1], [0], [0], [1], [0, 0, 1, 1], [], []>, transpose_lhs_hint = false} : vector<512x4xf32>, vector<4x128xf32>, vector<512x128xf32> -> vector<512x128xf32>
    %iota3A_71 = tpu.iota {dimensions = array<i32: 1>} : vector<1x128xi32>
    %and3A_72 = arith.constant 127 : i32
    %and3A_73 = vector.broadcast %and3A_72 : i32 to vector<512x1xi32>
    %and3A_74 = arith.andi %iota3A, %and3A_73 : vector<512x1xi32>
    %eq3A_75 = vector.broadcast %iota3A_71 : vector<1x128xi32> to vector<512x128xi32>
    %eq3A_76 = vector.broadcast %and3A_74 : vector<512x1xi32> to vector<512x128xi32>
    %eq3A_77 = arith.cmpi eq, %eq3A_75, %eq3A_76 : vector<512x128xi32>
    %convert_element_type3A_78 = arith.extui %eq3A_77 : vector<512x128xi1> to vector<512x128xi32>
    %convert_element_type3A_79 = arith.sitofp %convert_element_type3A_78 : vector<512x128xi32> to vector<512x128xf32>
    %mul3A_80 = arith.mulf %dot_general3A_70, %convert_element_type3A_79 : vector<512x128xf32>
    %reduce_sum3A = arith.constant dense<0.000000e+00> : vector<512xf32>
    %reduce_sum3A_81 = vector.multi_reduction <add>, %mul3A_80, %reduce_sum3A [1] : vector<512x128xf32> to vector<512xf32>
    %broadcast_in_dim3A = vector.shape_cast %reduce_sum3A_81 : vector<512xf32> to vector<512x1xf32>
    %mul3A_82 = vector.broadcast %broadcast_in_dim3A : vector<512x1xf32> to vector<512x128xf32>
    %mul3A_83 = arith.mulf %mul3A_32, %mul3A_82 : vector<512x128xf32>
    %mul3A_84 = arith.constant 2.500000e-01 : f32
    %mul3A_85 = vector.broadcast %mul3A_84 : f32 to vector<512x128xf32>
    %mul3A_86 = arith.mulf %mul3A_83, %mul3A_85 : vector<512x128xf32>
    %eq3A_87 = arith.constant 0 : i32
    %eq3A_88 = arith.cmpi eq, %select_n3A_7, %eq3A_87 : i32
    %convert_element_type3A_89 = arith.extui %eq3A_88 : i1 to i32
    %cond3A = arith.constant 0 : i32
    %cond3A_90 = arith.cmpi ne, %convert_element_type3A_89, %cond3A : i32
    scf.if %cond3A_90 {
      %swap3A = arith.constant 0 : index
      %swap3A_96 = arith.constant 0 : index
      %swap3A_97 = vector.load %arg5[%swap3A, %swap3A_96] : memref<512x128xf32, #tpu.memory_space<vmem>>, vector<512x128xf32>
      tpu.vector_store %arg5[%swap3A, %swap3A_96], %mul3A_86 {strides = array<i32>} : memref<512x128xf32, #tpu.memory_space<vmem>>, vector<512x128xf32>,
    } else {
    }
    %ne3A_91 = arith.constant 0 : i32
    %ne3A_92 = arith.cmpi ne, %select_n3A_7, %ne3A_91 : i32
    %convert_element_type3A_93 = arith.extui %ne3A_92 : i1 to i32
    %cond3A_94 = arith.constant 0 : i32
    %cond3A_95 = arith.cmpi ne, %convert_element_type3A_93, %cond3A_94 : i32
    scf.if %cond3A_95 {
      %get3A_96 = arith.constant 0 : index
      %get3A_97 = arith.constant 0 : index
      %get3A_98 = vector.load %arg5[%get3A_96, %get3A_97] : memref<512x128xf32, #tpu.memory_space<vmem>>, vector<512x128xf32>
      %add3A_99 = arith.addf %get3A_98, %mul3A_86 : vector<512x128xf32>
      %swap3A = arith.constant 0 : index
      %swap3A_100 = arith.constant 0 : index
      %swap3A_101 = vector.load %arg5[%swap3A, %swap3A_100] : memref<512x128xf32, #tpu.memory_space<vmem>>, vector<512x128xf32>
      tpu.vector_store %arg5[%swap3A, %swap3A_100], %add3A_99 {strides = array<i32>} : memref<512x128xf32, #tpu.memory_space<vmem>>, vector<512x128xf32>,
    } else {
    }
    return
  }
  func.func @transform_0(%arg0: i32) -> (i32, i32) {
    %jit3A = arith.constant 4 : i32
    %eq3A = arith.constant 0 : i32
    %eq3A_0 = arith.cmpi eq, %jit3A, %eq3A : i32
    %jit3A_1 = arith.constant 1 : i32
    %select_n3A = arith.select %eq3A_0, %jit3A_1, %jit3A : i32
    %rem3A = arith.remsi %arg0, %select_n3A : i32
    %ne3A = arith.constant 0 : i32
    %ne3A_2 = arith.cmpi ne, %rem3A, %ne3A : i32
    %lt3A = arith.constant 0 : i32
    %lt3A_3 = arith.cmpi slt, %rem3A, %lt3A : i32
    %lt3A_4 = arith.constant 0 : i32
    %lt3A_5 = arith.cmpi slt, %select_n3A, %lt3A_4 : i32
    %ne3A_6 = arith.xori %lt3A_3, %lt3A_5 : i1
    %and3A = arith.andi %ne3A_6, %ne3A_2 : i1
    %add3A = arith.addi %rem3A, %select_n3A : i32
    %select_n3A_7 = arith.select %and3A, %add3A, %rem3A : i32
    %mul3A = arith.constant 4 : i32
    %mul3A_8 = arith.muli %select_n3A_7, %mul3A : i32
    %jit3A_9 = arith.constant 4 : i32
    %div3A = arith.divsi %arg0, %jit3A_9 : i32
    %sign3A = arith.constant 0 : i32
    %sign3A_10 = arith.cmpi sgt, %arg0, %sign3A : i32
    %sign3A_11 = arith.extui %sign3A_10 : i1 to i32
    %sign3A_12 = arith.constant 0 : i32
    %sign3A_13 = arith.cmpi slt, %arg0, %sign3A_12 : i32
    %sign3A_14 = arith.extui %sign3A_13 : i1 to i32
    %sign3A_15 = arith.subi %sign3A_11, %sign3A_14 : i32
    %sign3A_16 = arith.constant 0 : i32
    %sign3A_17 = arith.cmpi sgt, %jit3A_9, %sign3A_16 : i32
    %sign3A_18 = arith.extui %sign3A_17 : i1 to i32
    %sign3A_19 = arith.constant 0 : i32
    %sign3A_20 = arith.cmpi slt, %jit3A_9, %sign3A_19 : i32
    %sign3A_21 = arith.extui %sign3A_20 : i1 to i32
    %sign3A_22 = arith.subi %sign3A_18, %sign3A_21 : i32
    %ne3A_23 = arith.cmpi ne, %sign3A_15, %sign3A_22 : i32
    %rem3A_24 = arith.remsi %arg0, %jit3A_9 : i32
    %ne3A_25 = arith.constant 0 : i32
    %ne3A_26 = arith.cmpi ne, %rem3A_24, %ne3A_25 : i32
    %and3A_27 = arith.andi %ne3A_23, %ne3A_26 : i1
    %sub3A = arith.constant 1 : i32
    %sub3A_28 = arith.subi %div3A, %sub3A : i32
    %select_n3A_29 = arith.select %and3A_27, %sub3A_28, %div3A : i32
    %add3A_30 = arith.addi %mul3A_8, %select_n3A_29 : i32
    %c0_i32 = arith.constant 0 : i32
    %c0_i32_31 = arith.constant 0 : i32
    return %add3A_30, %c0_i32 : i32, i32
  }
  func.func @transform_1(%arg0: i32) -> (i32, i32) {
    %c0_i32 = arith.constant 0 : i32
    %c0_i32_0 = arith.constant 0 : i32
    %c0_i32_1 = arith.constant 0 : i32
    return %c0_i32, %c0_i32_0 : i32, i32
  }
  func.func @transform_2(%arg0: i32) -> (i32, i32) {
    %c0_i32 = arith.constant 0 : i32
    %c0_i32_0 = arith.constant 0 : i32
    %c0_i32_1 = arith.constant 0 : i32
    return %c0_i32, %c0_i32_0 : i32, i32
  }
  func.func @transform_3(%arg0: i32) -> (i32, i32) {
    %c0_i32 = arith.constant 0 : i32
    %c0_i32_0 = arith.constant 0 : i32
    %c0_i32_1 = arith.constant 0 : i32
    return %c0_i32, %c0_i32_0 : i32, i32
  }
  func.func @transform_4(%arg0: i32) -> (i32, i32) {
    %jit3A = arith.constant 4 : i32
    %div3A = arith.divsi %arg0, %jit3A : i32
    %sign3A = arith.constant 0 : i32
    %sign3A_0 = arith.cmpi sgt, %arg0, %sign3A : i32
    %sign3A_1 = arith.extui %sign3A_0 : i1 to i32
    %sign3A_2 = arith.constant 0 : i32
    %sign3A_3 = arith.cmpi slt, %arg0, %sign3A_2 : i32
    %sign3A_4 = arith.extui %sign3A_3 : i1 to i32
    %sign3A_5 = arith.subi %sign3A_1, %sign3A_4 : i32
    %sign3A_6 = arith.constant 0 : i32
    %sign3A_7 = arith.cmpi sgt, %jit3A, %sign3A_6 : i32
    %sign3A_8 = arith.extui %sign3A_7 : i1 to i32
    %sign3A_9 = arith.constant 0 : i32
    %sign3A_10 = arith.cmpi slt, %jit3A, %sign3A_9 : i32
    %sign3A_11 = arith.extui %sign3A_10 : i1 to i32
    %sign3A_12 = arith.subi %sign3A_8, %sign3A_11 : i32
    %ne3A = arith.cmpi ne, %sign3A_5, %sign3A_12 : i32
    %rem3A = arith.remsi %arg0, %jit3A : i32
    %ne3A_13 = arith.constant 0 : i32
    %ne3A_14 = arith.cmpi ne, %rem3A, %ne3A_13 : i32
    %and3A = arith.andi %ne3A, %ne3A_14 : i1
    %sub3A = arith.constant 1 : i32
    %sub3A_15 = arith.subi %div3A, %sub3A : i32
    %select_n3A = arith.select %and3A, %sub3A_15, %div3A : i32
    %c0_i32 = arith.constant 0 : i32
    %c0_i32_16 = arith.constant 0 : i32
    return %select_n3A, %c0_i32 : i32, i32
  }
}

module attributes {stable_mosaic.version = 14 : i64} {
  func.func @_tc_a_body(%arg0: i32, %arg1: memref<512x128xf32, #tpu.memory_space<vmem>>, %arg2: memref<4096x128xf32, #tpu.memory_space<vmem>>, %arg3: memref<32x128xf32, #tpu.memory_space<vmem>>, %arg4: memref<64x128xf32, #tpu.memory_space<vmem>>, %arg5: memref<64x128xi32, #tpu.memory_space<vmem>>) attributes {dimension_semantics = [#tpu.dimension_semantics<arbitrary>], iteration_bounds = array<i64: 16>, scalar_prefetch = 0 : i64, scratch_operands = 0 : i64, tpu.core_type = #tpu.core_type<tc>, window_params = [{transform_indices = @transform_0, window_bounds = array<i64: 512, 128>}, {pipeline_mode = #tpu.pipeline_mode<synchronous>, transform_indices = @transform_1, window_bounds = array<i64: 4096, 128>}, {pipeline_mode = #tpu.pipeline_mode<synchronous>, transform_indices = @transform_2, window_bounds = array<i64: 32, 128>}, {pipeline_mode = #tpu.pipeline_mode<synchronous>, transform_indices = @transform_3, window_bounds = array<i64: 64, 128>}, {pipeline_mode = #tpu.pipeline_mode<synchronous>, transform_indices = @transform_4, window_bounds = array<i64: 64, 128>}]} {
    %get3A = arith.constant 0 : index
    %get3A_0 = arith.constant 0 : index
    %get3A_1 = vector.load %arg1[%get3A, %get3A_0] : memref<512x128xf32, #tpu.memory_space<vmem>>, vector<512x128xf32>
    %mul3A = arith.mulf %get3A_1, %get3A_1 : vector<512x128xf32>
    %reduce_sum3A = arith.constant dense<0.000000e+00> : vector<512xf32>
    %reduce_sum3A_2 = vector.multi_reduction <add>, %mul3A, %reduce_sum3A [1] : vector<512x128xf32> to vector<512xf32>
    %broadcast_in_dim3A = vector.shape_cast %reduce_sum3A_2 : vector<512xf32> to vector<512x1xf32>
    %sqrt3A = math.sqrt %broadcast_in_dim3A : vector<512x1xf32>
    %add3A = arith.constant 9.99999993E-9 : f32
    %add3A_3 = vector.broadcast %add3A : f32 to vector<512x1xf32>
    %add3A_4 = arith.addf %sqrt3A, %add3A_3 : vector<512x1xf32>
    %div3A = vector.broadcast %add3A_4 : vector<512x1xf32> to vector<512x128xf32>
    %div3A_5 = arith.divf %get3A_1, %div3A : vector<512x128xf32>
    %get3A_6 = arith.constant 0 : index
    %get3A_7 = arith.constant 0 : index
    %get3A_8 = vector.load %arg2[%get3A_6, %get3A_7] : memref<4096x128xf32, #tpu.memory_space<vmem>>, vector<4096x128xf32>
    %dot_general3A = arith.constant dense<0.000000e+00> : vector<512x4096xf32>
    %dot_general3A_9 = tpu.matmul %div3A_5, %get3A_8, %dot_general3A {dimension_numbers = #tpu.dot_dimension_numbers<[1], [1], [0], [0], [0, 0, 1, 0], [], []>, transpose_lhs_hint = false} : vector<512x128xf32>, vector<4096x128xf32>, vector<512x4096xf32> -> vector<512x4096xf32>
    %reduce_max3A = arith.constant dense<0xFF800000> : vector<512xf32>
    %reduce_max3A_10 = vector.multi_reduction <maximumf>, %dot_general3A_9, %reduce_max3A [1] : vector<512x4096xf32> to vector<512xf32>
    %broadcast_in_dim3A_11 = vector.shape_cast %reduce_max3A_10 : vector<512xf32> to vector<512x1xf32>
    %iota3A = tpu.iota {dimensions = array<i32: 1>} : vector<1x4096xi32>
    %convert_element_type3A = arith.sitofp %iota3A : vector<1x4096xi32> to vector<1x4096xf32>
    %eq3A = vector.broadcast %broadcast_in_dim3A_11 : vector<512x1xf32> to vector<512x4096xf32>
    %eq3A_12 = arith.cmpf oeq, %dot_general3A_9, %eq3A : vector<512x4096xf32>
    %jit3A = arith.constant 1.07374182E+9 : f32
    %broadcast_in_dim3A_13 = vector.shape_cast %convert_element_type3A : vector<1x4096xf32> to vector<1x4096xf32>
    %broadcast_in_dim3A_14 = vector.broadcast %broadcast_in_dim3A_13 : vector<1x4096xf32> to vector<512x4096xf32>
    %broadcast_in_dim3A_15 = vector.broadcast %jit3A : f32 to vector<512x4096xf32>
    %select_n3A = arith.select %eq3A_12, %broadcast_in_dim3A_14, %broadcast_in_dim3A_15 : vector<512x4096xi1>, vector<512x4096xf32>
    %reduce_min3A = arith.constant dense<0x7F800000> : vector<512xf32>
    %reduce_min3A_16 = vector.multi_reduction <minimumf>, %select_n3A, %reduce_min3A [1] : vector<512x4096xf32> to vector<512xf32>
    %broadcast_in_dim3A_17 = vector.shape_cast %reduce_min3A_16 : vector<512xf32> to vector<512x1xf32>
    %convert_element_type3A_18 = arith.fptosi %broadcast_in_dim3A_17 : vector<512x1xf32> to vector<512x1xi32>
    %shift_right_logical3A = arith.constant 7 : i32
    %shift_right_logical3A_19 = vector.broadcast %shift_right_logical3A : i32 to vector<512x1xi32>
    %shift_right_logical3A_20 = arith.shrui %convert_element_type3A_18, %shift_right_logical3A_19 : vector<512x1xi32>
    %and3A = arith.constant 127 : i32
    %and3A_21 = vector.broadcast %and3A : i32 to vector<512x1xi32>
    %and3A_22 = arith.andi %convert_element_type3A_18, %and3A_21 : vector<512x1xi32>
    %iota3A_23 = tpu.iota {dimensions = array<i32: 1>} : vector<1x32xi32>
    %eq3A_24 = vector.broadcast %iota3A_23 : vector<1x32xi32> to vector<512x32xi32>
    %eq3A_25 = vector.broadcast %shift_right_logical3A_20 : vector<512x1xi32> to vector<512x32xi32>
    %eq3A_26 = arith.cmpi eq, %eq3A_24, %eq3A_25 : vector<512x32xi32>
    %convert_element_type3A_27 = arith.extui %eq3A_26 : vector<512x32xi1> to vector<512x32xi32>
    %convert_element_type3A_28 = arith.sitofp %convert_element_type3A_27 : vector<512x32xi32> to vector<512x32xf32>
    %get3A_29 = arith.constant 0 : index
    %get3A_30 = arith.constant 0 : index
    %get3A_31 = vector.load %arg3[%get3A_29, %get3A_30] : memref<32x128xf32, #tpu.memory_space<vmem>>, vector<32x128xf32>
    %dot_general3A_32 = arith.constant dense<0.000000e+00> : vector<512x128xf32>
    %dot_general3A_33 = tpu.matmul %convert_element_type3A_28, %get3A_31, %dot_general3A_32 {dimension_numbers = #tpu.dot_dimension_numbers<[1], [0], [0], [1], [0, 0, 1, 1], [], []>, transpose_lhs_hint = false} : vector<512x32xf32>, vector<32x128xf32>, vector<512x128xf32> -> vector<512x128xf32>
    %iota3A_34 = tpu.iota {dimensions = array<i32: 1>} : vector<1x128xi32>
    %eq3A_35 = vector.broadcast %iota3A_34 : vector<1x128xi32> to vector<512x128xi32>
    %eq3A_36 = vector.broadcast %and3A_22 : vector<512x1xi32> to vector<512x128xi32>
    %eq3A_37 = arith.cmpi eq, %eq3A_35, %eq3A_36 : vector<512x128xi32>
    %convert_element_type3A_38 = arith.extui %eq3A_37 : vector<512x128xi1> to vector<512x128xi32>
    %convert_element_type3A_39 = arith.sitofp %convert_element_type3A_38 : vector<512x128xi32> to vector<512x128xf32>
    %mul3A_40 = arith.mulf %dot_general3A_33, %convert_element_type3A_39 : vector<512x128xf32>
    %reduce_sum3A_41 = arith.constant dense<0.000000e+00> : vector<512xf32>
    %reduce_sum3A_42 = vector.multi_reduction <add>, %mul3A_40, %reduce_sum3A_41 [1] : vector<512x128xf32> to vector<512xf32>
    %broadcast_in_dim3A_43 = vector.shape_cast %reduce_sum3A_42 : vector<512xf32> to vector<512x1xf32>
    %logistic3A = arith.negf %broadcast_in_dim3A_43 : vector<512x1xf32>
    %logistic3A_44 = math.exp %logistic3A : vector<512x1xf32>
    %logistic3A_45 = arith.constant 1.000000e+00 : f32
    %logistic3A_46 = vector.broadcast %logistic3A_45 : f32 to vector<512x1xf32>
    %logistic3A_47 = arith.addf %logistic3A_46, %logistic3A_44 : vector<512x1xf32>
    %logistic3A_48 = arith.divf %logistic3A_46, %logistic3A_47 : vector<512x1xf32>
    %mul3A_49 = arith.constant 4 : i32
    %mul3A_50 = arith.muli %arg0, %mul3A_49 : i32
    %reshape3A = vector.shape_cast %logistic3A_48 : vector<512x1xf32> to vector<4x128xf32>
    %swap3A = arith.index_cast %mul3A_50 : i32 to index
    %swap3A_51 = arith.constant 0 : index
    %swap3A_52 = vector.load %arg4[%swap3A, %swap3A_51] : memref<64x128xf32, #tpu.memory_space<vmem>>, vector<4x128xf32>
    tpu.vector_store %arg4[%swap3A, %swap3A_51], %reshape3A {strides = array<i32>} : memref<64x128xf32, #tpu.memory_space<vmem>>, vector<4x128xf32>,
    %reshape3A_53 = vector.shape_cast %convert_element_type3A_18 : vector<512x1xi32> to vector<4x128xi32>
    %swap3A_54 = arith.index_cast %mul3A_50 : i32 to index
    %swap3A_55 = arith.constant 0 : index
    %swap3A_56 = vector.load %arg5[%swap3A_54, %swap3A_55] : memref<64x128xi32, #tpu.memory_space<vmem>>, vector<4x128xi32>
    tpu.vector_store %arg5[%swap3A_54, %swap3A_55], %reshape3A_53 {strides = array<i32>} : memref<64x128xi32, #tpu.memory_space<vmem>>, vector<4x128xi32>,
    return
  }
  func.func @transform_0(%arg0: i32) -> (i32, i32) {
    %c0_i32 = arith.constant 0 : i32
    %c0_i32_0 = arith.constant 0 : i32
    return %arg0, %c0_i32 : i32, i32
  }
  func.func @transform_1(%arg0: i32) -> (i32, i32) {
    %c0_i32 = arith.constant 0 : i32
    %c0_i32_0 = arith.constant 0 : i32
    %c0_i32_1 = arith.constant 0 : i32
    return %c0_i32, %c0_i32_0 : i32, i32
  }
  func.func @transform_2(%arg0: i32) -> (i32, i32) {
    %c0_i32 = arith.constant 0 : i32
    %c0_i32_0 = arith.constant 0 : i32
    %c0_i32_1 = arith.constant 0 : i32
    return %c0_i32, %c0_i32_0 : i32, i32
  }
  func.func @transform_3(%arg0: i32) -> (i32, i32) {
    %c0_i32 = arith.constant 0 : i32
    %c0_i32_0 = arith.constant 0 : i32
    %c0_i32_1 = arith.constant 0 : i32
    return %c0_i32, %c0_i32_0 : i32, i32
  }
  func.func @transform_4(%arg0: i32) -> (i32, i32) {
    %c0_i32 = arith.constant 0 : i32
    %c0_i32_0 = arith.constant 0 : i32
    %c0_i32_1 = arith.constant 0 : i32
    return %c0_i32, %c0_i32_0 : i32, i32
  }
}

</mosaic_0001>

<sc_bundles>
// kernel: kernel.6.cloned.1.call-start
scs
__scs_entry_jumppad:
0x0: {  	(pc) =	sbr.rel $0x88, $3  }
0x1: {  	(tag) =	ssettag $0x0;
	lr =	simm.s32 $0x1  }
0x2: {  	[smem:$0x3F9C] =	sst lr;
	_ =	strace $0xD0000000  }
0x3: {  	_ = 	snop  }
0x4: {  	_ = 	snop  }
0x5: {  	_ = 	snop  }
0x6: {  	_ = 	snop  }
0x7: {  	_ = 	snop  }
__scs_overlays_trampoline_lowered:
0x8: {  	[smem:$0x3FAB] =	sst s0  }
0x9: {  	[smem:$0x3FAC] =	sst s1  }
0xa: {  	[smem:$0x3FAD] =	sst s2  }
0xb: {  	[smem:$0x3FAE] =	sst s3  }
0xc: {  	[smem:$0x3FAF] =	sst s4  }
0xd: {  	[smem:$0x3FB0] =	sst s5  }
0xe: {  	[smem:$0x3FB1] =	sst s6  }
0xf: {  	[smem:$0x3FB2] =	sst s7  }
0x10: {  	[smem:$0x3FB3] =	sst s8  }
0x11: {  	[smem:$0x3FB4] =	sst s9;
	s0 =	simm.s32 @!p0 $0x0  }
0x12: {  	s1 =	sld [smem:$0x3F9A];
	s0 =	simm.s32 @p0 $0x1  }
0x13: {  	[smem:$0x3FB5] =	sst s0;
	s0 =	simm.s32 @!p1 $0x0  }
0x14: {  	s2 =	sld [smem:$0x3F99];
	s0 =	simm.s32 @p1 $0x1  }
0x15: {  	[smem:$0x3FB6] =	sst s0;
	s0 =	simm.s32 @!p2 $0x0  }
0x16: {  	s3 =	sld [smem:$0x3FDB];
	s0 =	simm.s32 @p2 $0x1  }
0x17: {  	s4 =	simm.s32 $0x1BF5;
	[smem:$0x3FB8] =	sst s0  }
0x18: {  	s0 =	sld [smem:$0x3F9B];
	_ =	swait.ge [sflag:s4], $0x0  }
0x19: {  	s7 =	sld [smem:$0x3F9C]  }
0x1a: {  	s8 =	sadd.s32 $0xFFFFE003, lr  }
0x1b: {  	s9 =	sadd.s32 $0xFFFFFEF7, lr;
	s5 =	simm.s32 $0xFFFFFFFF;
	p2 =	slt.u32 s8, $0xFFFFF086  }
0x1c: {  	p1 =	slt.u32 s9, $0xF7A;
	s5 =	simm.s32 @!p2 $0x0  }
0x1d: {  	s5 =	simm.s32 @p1 $0x1;
	p0 =	seq.s32 s7, s2  }
0x1e: {  	s7 =	smul.u32 @!p0 $0xF7A, s2;
	p2 =	seq.s32 @!p0 s5, $0x0  }
0x1f: {  	s9 =	smul.u32 $0xF7A, s1;
	s8 =	simm.s32 @!p0 $0x1BF5;
	p2 =	por !p2, p0  }
0x20: {  	[sflag:s8] =	ssyncset.s32 @!p0 $0xFFFFF086;
	s6 =	sadd.s32 @!p0 s3, s7;
	s7 =	simm.s32 @!p0 $0x108  }
0x21: {  	s3 =	sadd.s32 s3, s9;
	s6 =	sadd.s32 @!p0 $0x88, s6;
	s7 =	simm.s32 @p2 $0x1082  }
0x22: {  	[simem:s7], [sflag:s8] =	dma.local @!p0 [hbm:s6], $0xF7A  }
0x23: {  	s9 =	sor.u32 $0xD0000000, s2;
	s6 =	simm.s32 $0x108;
	_ =	swait.ge @!p0 [sflag:s8], $0x0  }
0x24: {  	s3 =	sadd.s32 $0x88, s3;
	s6 =	simm.s32 @!p1 $0x1082;
	[sflag:s4] =	ssyncset.s32 $0xFFFFF086  }
0x25: {  	[simem:s6], [sflag:s4] =	dma.local [hbm:s3], $0xF7A  }
0x26: {  	[smem:$0x3F9C] =	sst s1;
	(tag) =	ssettag s2;
	_ =	strace s9  }
0x27: {  	s1 =	sld [smem:$0x3FAC]  }
0x28: {  	s2 =	sld [smem:$0x3FAD]  }
0x29: {  	s4 =	sld [smem:$0x3FAF]  }
0x2a: {  	p0 =	seq.s32 s5, $0x0;
	s5 =	sld [smem:$0x3FB0]  }
0x2b: {  	s6 =	sld [smem:$0x3FB1]  }
0x2c: {  	s7 =	sld [smem:$0x3FB2]  }
0x2d: {  	s3 =	simm.s32 $0x108;
	s8 =	sld [smem:$0x3FB3]  }
0x2e: {  	s3 =	simm.s32 @!p0 $0x1082;
	s9 =	sld [smem:$0x3FB4]  }
0x2f: {  	lr =	sadd.s32 s0, s3;
	s0 =	sld [smem:$0x3FAB]  }
0x30: {  	s3 =	sld [smem:$0x3FAE]  }
0x31: {  	[smem:$0x3FB7] =	sst s10  }
0x32: {  	s10 =	sld [smem:$0x3FB5];
	_ =	sdelay $0x3  }
0x33: {  	p0 =	seq.s32 s10, $0x1;
	s10 =	sld [smem:$0x3FB7];
	_ =	sdelay $0x3  }
0x34: {  	[smem:$0x3FB7] =	sst s10  }
0x35: {  	s10 =	sld [smem:$0x3FB6];
	_ =	sdelay $0x3  }
0x36: {  	p1 =	seq.s32 s10, $0x1;
	s10 =	sld [smem:$0x3FB7];
	_ =	sdelay $0x3  }
0x37: {  	[smem:$0x3FB7] =	sst s10  }
0x38: {  	s10 =	sld [smem:$0x3FB8]  }
0x39: {  	_ = 	snop;
	(pc) =	sbr.ind lr, $3  }
0x3a: {  	_ = 	snop  }
0x3b: {  	_ = 	snop  }
0x3c: {  	p2 =	seq.s32 s10, $0x1;
	s10 =	sld [smem:$0x3FB7]  }
0x3d: {  	_ =	shalt  }
0x3e: {  	_ =	shalt  }
0x3f: {  	_ =	shalt  }
0x40: {  	_ =	shalt  }
0x41: {  	_ =	shalt  }
0x42: {  	_ =	shalt  }
0x43: {  	_ =	shalt  }
0x44: {  	_ =	shalt  }
0x45: {  	_ =	shalt  }
0x46: {  	_ =	shalt  }
0x47: {  	_ =	shalt  }
0x48: {  	_ =	shalt  }
0x49: {  	_ =	shalt  }
0x4a: {  	_ =	shalt  }
0x4b: {  	_ =	shalt  }
0x4c: {  	_ =	shalt  }
0x4d: {  	_ =	shalt  }
0x4e: {  	_ =	shalt  }
0x4f: {  	_ =	shalt  }
0x50: {  	_ =	shalt  }
0x51: {  	_ =	shalt  }
0x52: {  	_ =	shalt  }
0x53: {  	_ =	shalt  }
0x54: {  	_ =	shalt  }
0x55: {  	_ =	shalt  }
0x56: {  	_ =	shalt  }
0x57: {  	_ =	shalt  }
0x58: {  	_ =	shalt  }
0x59: {  	_ =	shalt  }
0x5a: {  	_ =	shalt  }
0x5b: {  	_ =	shalt  }
0x5c: {  	_ =	shalt  }
0x5d: {  	_ =	shalt  }
0x5e: {  	_ =	shalt  }
0x5f: {  	_ =	shalt  }
0x60: {  	_ =	shalt  }
0x61: {  	_ =	shalt  }
0x62: {  	_ =	shalt  }
0x63: {  	_ =	shalt  }
0x64: {  	_ =	shalt  }
0x65: {  	_ =	shalt  }
0x66: {  	_ =	shalt  }
0x67: {  	_ =	shalt  }
0x68: {  	_ =	shalt  }
0x69: {  	_ =	shalt  }
0x6a: {  	_ =	shalt  }
0x6b: {  	_ =	shalt  }
0x6c: {  	_ =	shalt  }
0x6d: {  	_ =	shalt  }
0x6e: {  	_ =	shalt  }
0x6f: {  	_ =	shalt  }
0x70: {  	_ =	shalt  }
0x71: {  	_ =	shalt  }
0x72: {  	_ =	shalt  }
0x73: {  	_ =	shalt  }
0x74: {  	_ =	shalt  }
0x75: {  	_ =	shalt  }
0x76: {  	_ =	shalt  }
0x77: {  	_ =	shalt  }
0x78: {  	_ =	shalt  }
0x79: {  	_ =	shalt  }
0x7a: {  	_ =	shalt  }
0x7b: {  	_ =	shalt  }
0x7c: {  	_ =	shalt  }
0x7d: {  	_ =	shalt  }
0x7e: {  	_ =	shalt  }
0x7f: {  	_ =	shalt  }
0x80: {  	_ =	shalt  }
0x81: {  	_ =	shalt  }
0x82: {  	_ =	shalt  }
0x83: {  	_ =	shalt  }
0x84: {  	_ =	shalt  }
0x85: {  	_ =	shalt  }
0x86: {  	_ =	shalt  }
0x87: {  	_ =	shalt  }
.Lfunc_end0:
.L_simem_size_0:
called_computation_lowered:
.L_overlay_start_0:
0x88: {  	s2 =	sld [smem:$0x3FD9]  }
0x89: {  	s3 =	sld [smem:$0x3FFE];
	_ =	sdelay $0x1  }
0x8a: {  	s1 =	srdreg.scid  }
0x8b: {  	s0 =	sand.u32 $0x1, s1  }
0x8c: {  	s14 =	sshll.u32 s0, $0xA;
	s2 =	sadd.s32 s3, s2  }
0x8d: {  	s2 =	sadd.s32 s2, s14  }
0x8e: {  	[smem:$0x3FC3] =	sst s2  }
0x8f: {  	_ = 	snop  }
0x90: {  	s2 =	sld [smem:$0x3FD0];
	_ =	sdelay $0x1  }
0x91: {  	s15 =	sld [smem:$0x3FC9]  }
0x92: {  	s5 =	simm.s32 $0xA;
	s6 =	simm.s32 $0x10;
	s4 =	sld [smem:$0x3FC5]  }
0x93: {  	[smem:s6], [sflag:s5] =	dma.local [hbm:s2], $0x1  }
0x94: {  	_ =	swait.eq [sflag:s5], $0x1  }
0x95: {  	[sflag:s5] =	ssyncset.done $0x0  }
0x96: {  	[sflag:s5] =	ssyncadd.s32 $0xFFFFFFFF  }
0x97: {  	s16 =	sld [smem:$0x11];
	(tm) =	ssettm $0x1  }
0x98: {  	s17 =	sld [smem:$0x3FFB];
	_ =	sdelay $0x3  }
0x99: {  	_ =	strace s17  }
0x9a: {  	s5 =	sld [smem:$0x3FFC];
	_ =	sdelay $0x3  }
0x9b: {  	_ =	strace s5  }
0x9c: {  	s5 =	sld [smem:$0x3FFD];
	_ =	sdelay $0x3  }
0x9d: {  	_ =	strace s5  }
0x9e: {  	_ =	strace $0x8FFFFFFF  }
0x9f: {  	s18 =	sld [smem:$0x3FDB];
	_ =	sdelay $0x1  }
0xa0: {  	s19 =	simm.s32 $_scs_section_size  }
0xa1: {  	s7 =	simm.s32 $_size__tile_overlayer_lowered;
	s8 =	simm.s32 $_tile_overlayer_lowered  }
0xa2: {  	s22 =	simm.s32 $0x1BFF;
	s21 =	sshll.u32 s8, $0x1;
	s5 =	sadd.s32 s19, s18  }
0xa3: {  	s9 =	simm.s32 $0x0;
	s20 =	sshll.u32 s7, $0x1;
	s7 =	sadd.s32 s21, s5  }
0xa4: {  	[timem:s9], [sflag:s22] =	dma.local [hbm:s7], s20  }
0xa5: {  	_ =	swait.ge [sflag:s22], s20  }
0xa6: {  	s6 =	ssub.s32 $0x0, s20;
	[sflag:s22] =	ssyncset.done $0x0  }
0xa7: {  	[sflag:s22] =	ssyncadd.s32 s6;
	_ =	sdelay $0x1  }
0xa8: {  	s23 =	simm.s32 $0x1B8B  }
0xa9: {  	_ =	swait.ge [sflag:s23], $0x1  }
0xaa: {  	[sflag:s23] =	ssyncset.done $0x0  }
0xab: {  	s25 =	simm.s32 $0x1B8E;
	s24 =	sld [smem:$0x3FFE];
	[sflag:s23] =	ssyncadd.s32 $0xFFFFFFFF  }
0xac: {  	s26 =	simm.s32 $execute0_lowered;
	[smem:$0x3FD2] =	sst s25  }
0xad: {  	s7 =	sshll.u32 s26, $0x1;
	_ =	strace $0x80000046;
	[dreg:$0x1] =	wrdreg $0xFFFFFFFF  }
0xae: {  	s28 =	simm.s32 $_size_execute0_lowered;
	s5 =	sadd.s32 s5, s7;
	[dreg:$0x0] =	wrdreg $0x0  }
0xaf: {  	s7 =	sshll.u32 s28, $0x1;
	[dreg:$0x2] =	wrdreg s5  }
0xb0: {  	[dreg:$0x3] =	wrdreg s7  }
0xb1: {  	[dreg:$0x4] =	wrdreg $0xC0  }
0xb2: {  	_ =	task [dreg:s9], $0x5FFFF  }
0xb3: {  	[dreg:$0x1] =	wrdreg $0xFFFFFFFF  }
0xb4: {  	[dreg:$0x0] =	wrdreg $0x60  }
0xb5: {  	[dreg:$0x2] =	wrdreg s4  }
0xb6: {  	[dreg:$0x3] =	wrdreg s15  }
0xb7: {  	[dreg:$0x4] =	wrdreg s24  }
0xb8: {  	[dreg:$0x5] =	wrdreg s16  }
0xb9: {  	[dreg:$0x6] =	wrdreg $0x9  }
0xba: {  	_ =	task.clear_ibuf [dreg:s9], $0x7FFFF;
	_ =	strace $0x90000046  }
0xbb: {  	s29 =	simm.s32 $0x9;
	_ =	strace $0x80000048  }
0xbc: {  	_ =	swait.ge [sflag:s29], $0x1  }
0xbd: {  	[sflag:s29] =	ssyncadd.s32 $0xFFFFFFFF  }
0xbe: {  	_ =	strace $0x90000048  }
0xbf: {  	_ =	sfence  }
0xc0: {  	s30 =	sld [smem:$0x0];
	_ =	sdelay $0x2  }
0xc1: {  	s31 =	sshll.u32 s1, $0xD;
	s1 =	sshrl.u32 s1, $0x2  }
0xc2: {  	s3 =	sand.u32 $0x4000, s31;
	s1 =	sadd.s32 s1, s30  }
0xc3: {  	s0 =	sor.u32 s3, s0;
	s1 =	sshll.u32 s1, $0x11  }
0xc4: {  	s0 =	sor.u32 s1, s0  }
0xc5: {  	s0 =	sadd.s32 $0x8F2B, s0  }
0xc6: {  	[sflag:s0] =	ssyncadd.remote.s32 $0x1  }
0xc7: {  	_ =	sfence.sel $0xFFFF  }
0xc8: {  	[dreg:$0x0] =	wrdreg $0xFFFFFFFF;
	(pc) =	sbr.abs _section_cstart, $3  }
0xc9: {  	[dreg:$0x1] =	wrdreg $0xFFFFFFFF  }
0xca: {  	_ =	task.clear_ibuf [dreg:s9], $0x2FFFF;
	_ =	strace $0x9FFFFFFF  }
0xcb: {  	(tm) =	ssettm $0x7FFFFFFF  }
tec
execute0_lowered:
.L_overlay_start_1:
0x0: {  	(tag) =	ssettag $0x1  }
0x1: {  	s1 =	rddreg [dreg:$0x0]  }
0x2: {  	s6 =	rddreg [dreg:$0x1]  }
0x3: {  	s5 =	rddreg [dreg:$0x2]  }
0x4: {  	s3 =	rddreg [dreg:$0x3]  }
0x5: {  	s0 =	rddreg [dreg:$0x4]  }
0x6: {  	s7 =	srdreg.scid;
	s2 =	stileid.u32  }
0x7: {  	s4 =	simm.s32 $0x0;
	s12 =	simm.s32 $0x6;
	s13 =	simm.s32 $0x80  }
0x8: {  	s14 =	simm.s32 $0x100;
	s15 =	simm.s32 $0x4100;
	s16 =	simm.s32 $0x8100  }
0x9: {  	s17 =	simm.s32 $0xC100;
	s18 =	simm.s32 $0x10100;
	s19 =	simm.s32 $0x1  }
0xa: {  	s20 =	simm.s32 $0x3;
	s21 =	simm.s32 $0x2;
	s22 =	simm.s32 $0x4  }
0xb: {  	s23 =	simm.s32 $0x5;
	s7 =	sand.u32 $0x1, s7;
	s8 =	sshll.u32 s2, $0x1  }
0xc: {  	s24 =	simm.s32 $0x0;
	[smem:$0x7FF] =	sst s4;
	s8 =	sor.u32 s7, s8  }
0xd: {  	s7 =	ssub.s32 $0x2, s7;
	_ =	strace $0x80000047;
	s9 =	sshll.u32 s8, $0x5  }
0xe: {  	s10 =	sshrl.u32 s7, $0x1;
	s30 =	sshll.u32 s8, $0xC;
	s31 =	sshll.u32 s8, $0xB  }
0xf: {  	s9 =	sadd.s32 s9, s5;
	s11 =	ssub.s32 s7, s10;
	s6 =	sadd.s32 s6, s30  }
0x10: {  	s10 =	sadd.s32 s3, s31;
	s5 =	sadd.s32 $0x1600, s9;
	s7 =	sadd.s32 $0x1610, s9  }
0x11: {  	s8 =	sadd.s32 $0x800, s6;
	s9 =	sadd.s32 s1, s31;
	s11 =	smax.u32 s11, $0x1  }
.LBB2_1:
0x12: {  	[tilespmem:s4], [sflag:$0x6] =	stream.linear.gather [hbm4b:s5+s4], $0x80, $0x38;
	[tilespmem:$0x14100] =	vst v63  }
0x13: {  	_ =	swait.ge [sflag:s12], $0x80  }
0x14: {  	[sflag:s12] =	ssyncset.done $0x0  }
0x15: {  	[sflag:s12] =	ssyncadd.s32 $0xFFFFFF80  }
0x16: {  	[tilespmem:s13], [sflag:$0x6] =	stream.linear.gather [hbm4b:s7+s4], $0x80, $0x38;
	[tilespmem:$0x14100] =	vst v63  }
0x17: {  	_ =	swait.ge [sflag:s12], $0x80  }
0x18: {  	[sflag:s12] =	ssyncset.done $0x0  }
0x19: {  	[sflag:s12] =	ssyncadd.s32 $0xFFFFFF80  }
0x1a: {  	[tilespmem:s14], [sflag:$0x1] =	stream.indirect.gather [hbm4b:s1+s13], $0x80, s4, s13, $0xb8;
	[tilespmem:$0x14100] =	vst v63  }
0x1b: {  	_ = 	snop  }
0x1c: {  	[tilespmem:s15], [sflag:$0x2] =	stream.indirect.gather [hbm4b:s1+s13], $0x80, s13, s13, $0xb8;
	[tilespmem:$0x14100] =	vst v63  }
0x1d: {  	_ = 	snop  }
0x1e: {  	[tilespmem:s16], [sflag:$0x3] =	stream.linear.gather [hbm4b:s6+s4], $0x4000, $0x38;
	[tilespmem:$0x14100] =	vst v63  }
0x1f: {  	_ = 	snop  }
0x20: {  	[tilespmem:s17], [sflag:$0x4] =	stream.linear.gather [hbm4b:s8+s4], $0x4000, $0x38;
	[tilespmem:$0x14100] =	vst v63  }
0x21: {  	_ = 	snop  }
0x22: {  	[tilespmem:s18], [sflag:$0x6] =	stream.linear.gather [hbm4b:s9+s4], $0x4000, $0x38;
	[tilespmem:$0x14100] =	vst v63  }
0x23: {  	_ =	swait.ge [sflag:s12], $0x4000  }
0x24: {  	[sflag:s12] =	ssyncset.done $0x0  }
0x25: {  	[sflag:s12] =	ssyncadd.s32 $0xFFFFC000  }
0x26: {  	[hbm4b:s10+s4] =	stream.linear.scatter [tilespmem:s18], [sflag:$0x6], $0x4000, $0x38;
	[tilespmem:$0x14100] =	vst v63  }
0x27: {  	_ =	swait.ge [sflag:s12], $0x4000  }
0x28: {  	[sflag:s12] =	ssyncset.done $0x0  }
0x29: {  	[sflag:s12] =	ssyncadd.s32 $0xFFFFC000  }
0x2a: {  	[bflag:$0x0] =	sbarrier.arrive $0xFFFF  }
0x2b: {  	_ =	swait.ge [sflag:s19], $0x4000  }
0x2c: {  	[sflag:s19] =	ssyncset.done $0x0  }
0x2d: {  	[sflag:s19] =	ssyncadd.s32 $0xFFFFC000  }
0x2e: {  	_ =	swait.ge [sflag:s20], $0x4000  }
0x2f: {  	[sflag:s20] =	ssyncset.done $0x0  }
0x30: {  	s25 =	simm.s32 $0x0;
	[sflag:s20] =	ssyncadd.s32 $0xFFFFC000  }
0x31: {  	v5 =	vld [tilespmem:s25+$0x8100]  }
0x32: {  	v4 =	vld [tilespmem:s25+$0x8110]  }
0x33: {  	v3 =	vld [tilespmem:s25+$0x8120]  }
0x34: {  	v2 =	vld [tilespmem:s25+$0x8130]  }
0x35: {  	v1 =	vld [tilespmem:s25+$0x8140]  }
0x36: {  	v0 =	vld [tilespmem:s25+$0x8150]  }
0x37: {  	v6 =	vld [tilespmem:s25+$0x100]  }
0x38: {  	v11 =	vld [tilespmem:s25+$0x110]  }
0x39: {  	v10 =	vld [tilespmem:s25+$0x120]  }
0x3a: {  	v9 =	vld [tilespmem:s25+$0x130]  }
0x3b: {  	v8 =	vld [tilespmem:s25+$0x140]  }
0x3c: {  	v7 =	vld [tilespmem:s25+$0x150];
	v12 =	vmul.f32 $4.999900000e+04, v6  }
0x3d: {  	s26 =	simm.s32 $0x200;
	v11 =	vmul.f32 $4.999900000e+04, v11;
	v6 =	vld [tilespmem:s25+$0x160]  }
.LBB2_2:
0x3e: {  	p0 =	sne.s32 s26, $0xFE00;
	v5 =	vadd.f32 v5, v12;
	v10 =	vmul.f32 $4.999900000e+04, v10;
	v12 =	vld [tilespmem:s25+$0x170]  }
0x3f: {  	v4 =	vadd.f32 v4, v11;
	v9 =	vmul.f32 $4.999900000e+04, v9;
	v11 =	vld [tilespmem:s25+$0x8160]  }
0x40: {  	s28 =	sshra.s32 s26, $0x2;
	v13 =	vmul.f32 $1.999999950e-05, v5;
	v3 =	vadd.f32 v3, v10;
	v8 =	vmul.f32 $4.999900000e+04, v8;
	v10 =	vld [tilespmem:s25+$0x8170]  }
0x41: {  	v5 =	vld [tilespmem:s28+$0x8100];
	v14 =	vmul.f32 $1.999999950e-05, v4;
	v2 =	vadd.f32 v2, v9;
	v7 =	vmul.f32 $4.999900000e+04, v7  }
0x42: {  	v4 =	vld [tilespmem:s28+$0x8110];
	[tilespmem:s25+$0x100] =	vst v13;
	v9 =	vmul.f32 $1.999999950e-05, v3;
	v1 =	vadd.f32 v1, v8;
	v6 =	vmul.f32 $4.999900000e+04, v6  }
0x43: {  	v3 =	vld [tilespmem:s28+$0x8120];
	[tilespmem:s25+$0x110] =	vst v14;
	v8 =	vmul.f32 $1.999999950e-05, v2;
	v0 =	vadd.f32 v0, v7;
	v7 =	vmul.f32 $4.999900000e+04, v12  }
0x44: {  	v2 =	vld [tilespmem:s28+$0x8130];
	[tilespmem:s25+$0x120] =	vst v9;
	v9 =	vmul.f32 $1.999999950e-05, v1;
	v6 =	vadd.f32 v11, v6  }
0x45: {  	v1 =	vld [tilespmem:s28+$0x8140];
	[tilespmem:s25+$0x130] =	vst v8;
	v8 =	vmul.f32 $1.999999950e-05, v0;
	v7 =	vadd.f32 v10, v7  }
0x46: {  	v0 =	vld [tilespmem:s28+$0x8150];
	[tilespmem:s25+$0x140] =	vst v9;
	v6 =	vmul.f32 $1.999999950e-05, v6  }
0x47: {  	v11 =	vld [tilespmem:s28+$0x100];
	[tilespmem:s25+$0x150] =	vst v8;
	v7 =	vmul.f32 $1.999999950e-05, v7  }
0x48: {  	v13 =	vld [tilespmem:s28+$0x110];
	[tilespmem:s25+$0x160] =	vst v6  }
.Ltmp0:
0x49: {  	v10 =	vld [tilespmem:s28+$0x120];
	[tilespmem:s25+$0x170] =	vst v7;
	s25 =	smov.u32 s28;
	(pc) =	sbr.rel @p0 .LBB2_2-.Ltmp0, $4  }
0x4a: {  	v9 =	vld [tilespmem:s25+$0x130]  }
0x4b: {  	v8 =	vld [tilespmem:s25+$0x140]  }
0x4c: {  	v12 =	vmul.f32 $4.999900000e+04, v11;
	v7 =	vld [tilespmem:s25+$0x150]  }
0x4d: {  	s26 =	sadd.s32 $0x200, s26;
	v11 =	vmul.f32 $4.999900000e+04, v13;
	v6 =	vld [tilespmem:s25+$0x160]  }
0x4e: {  	v5 =	vadd.f32 v5, v12;
	v10 =	vmul.f32 $4.999900000e+04, v10;
	v12 =	vld [tilespmem:s25+$0x170]  }
0x4f: {  	v4 =	vadd.f32 v4, v11;
	v9 =	vmul.f32 $4.999900000e+04, v9;
	v11 =	vld [tilespmem:s25+$0x8160]  }
0x50: {  	v5 =	vmul.f32 $1.999999950e-05, v5;
	v3 =	vadd.f32 v3, v10;
	v8 =	vmul.f32 $4.999900000e+04, v8;
	v10 =	vld [tilespmem:s25+$0x8170]  }
0x51: {  	v4 =	vmul.f32 $1.999999950e-05, v4;
	v2 =	vadd.f32 v2, v9;
	v7 =	vmul.f32 $4.999900000e+04, v7  }
0x52: {  	[tilespmem:s25+$0x100] =	vst v5;
	v3 =	vmul.f32 $1.999999950e-05, v3;
	v1 =	vadd.f32 v1, v8;
	v5 =	vmul.f32 $4.999900000e+04, v6  }
0x53: {  	[tilespmem:s25+$0x110] =	vst v4;
	v2 =	vmul.f32 $1.999999950e-05, v2;
	v0 =	vadd.f32 v0, v7;
	v4 =	vmul.f32 $4.999900000e+04, v12  }
0x54: {  	[tilespmem:s25+$0x120] =	vst v3;
	v1 =	vmul.f32 $1.999999950e-05, v1;
	v3 =	vadd.f32 v11, v5  }
0x55: {  	[tilespmem:s25+$0x130] =	vst v2;
	v0 =	vmul.f32 $1.999999950e-05, v0;
	v2 =	vadd.f32 v10, v4  }
0x56: {  	[tilespmem:s25+$0x140] =	vst v1;
	v1 =	vmul.f32 $1.999999950e-05, v3  }
0x57: {  	[tilespmem:s25+$0x150] =	vst v0;
	v0 =	vmul.f32 $1.999999950e-05, v2  }
0x58: {  	[tilespmem:s25+$0x160] =	vst v1  }
0x59: {  	s31 =	simm.s32 $0x0;
	[tilespmem:s25+$0x170] =	vst v0  }
0x5a: {  	[hbm4b:s3+s13] =	stream.indirect.scatter [tilespmem:s14], [sflag:$0x5], $0x80, s31, s13, $0xb8;
	[tilespmem:$0x14100] =	vst v63  }
0x5b: {  	_ =	swait.ge [sflag:s21], $0x4000  }
0x5c: {  	[sflag:s21] =	ssyncset.done $0x0  }
0x5d: {  	[sflag:s21] =	ssyncadd.s32 $0xFFFFC000  }
0x5e: {  	_ =	swait.ge [sflag:s22], $0x4000  }
0x5f: {  	[sflag:s22] =	ssyncset.done $0x0  }
0x60: {  	s25 =	simm.s32 $0x0;
	[sflag:s22] =	ssyncadd.s32 $0xFFFFC000  }
0x61: {  	v5 =	vld [tilespmem:s25+$0xC100]  }
0x62: {  	v4 =	vld [tilespmem:s25+$0xC110]  }
0x63: {  	v3 =	vld [tilespmem:s25+$0xC120]  }
0x64: {  	v2 =	vld [tilespmem:s25+$0xC130]  }
0x65: {  	v1 =	vld [tilespmem:s25+$0xC140]  }
0x66: {  	v0 =	vld [tilespmem:s25+$0xC150]  }
0x67: {  	v6 =	vld [tilespmem:s25+$0x4100]  }
0x68: {  	v11 =	vld [tilespmem:s25+$0x4110]  }
0x69: {  	v10 =	vld [tilespmem:s25+$0x4120]  }
0x6a: {  	v9 =	vld [tilespmem:s25+$0x4130]  }
0x6b: {  	v8 =	vld [tilespmem:s25+$0x4140]  }
0x6c: {  	v7 =	vld [tilespmem:s25+$0x4150];
	v12 =	vmul.f32 $4.999900000e+04, v6  }
0x6d: {  	s26 =	simm.s32 $0x200;
	v11 =	vmul.f32 $4.999900000e+04, v11;
	v6 =	vld [tilespmem:s25+$0x4160]  }
.LBB2_4:
0x6e: {  	p0 =	sne.s32 s26, $0xFE00;
	v5 =	vadd.f32 v5, v12;
	v10 =	vmul.f32 $4.999900000e+04, v10;
	v12 =	vld [tilespmem:s25+$0x4170]  }
0x6f: {  	v4 =	vadd.f32 v4, v11;
	v9 =	vmul.f32 $4.999900000e+04, v9;
	v11 =	vld [tilespmem:s25+$0xC160]  }
0x70: {  	s28 =	sshra.s32 s26, $0x2;
	v13 =	vmul.f32 $1.999999950e-05, v5;
	v3 =	vadd.f32 v3, v10;
	v8 =	vmul.f32 $4.999900000e+04, v8;
	v10 =	vld [tilespmem:s25+$0xC170]  }
0x71: {  	v5 =	vld [tilespmem:s28+$0xC100];
	v14 =	vmul.f32 $1.999999950e-05, v4;
	v2 =	vadd.f32 v2, v9;
	v7 =	vmul.f32 $4.999900000e+04, v7  }
0x72: {  	v4 =	vld [tilespmem:s28+$0xC110];
	[tilespmem:s25+$0x4100] =	vst v13;
	v9 =	vmul.f32 $1.999999950e-05, v3;
	v1 =	vadd.f32 v1, v8;
	v6 =	vmul.f32 $4.999900000e+04, v6  }
0x73: {  	v3 =	vld [tilespmem:s28+$0xC120];
	[tilespmem:s25+$0x4110] =	vst v14;
	v8 =	vmul.f32 $1.999999950e-05, v2;
	v0 =	vadd.f32 v0, v7;
	v7 =	vmul.f32 $4.999900000e+04, v12  }
0x74: {  	v2 =	vld [tilespmem:s28+$0xC130];
	[tilespmem:s25+$0x4120] =	vst v9;
	v9 =	vmul.f32 $1.999999950e-05, v1;
	v6 =	vadd.f32 v11, v6  }
0x75: {  	v1 =	vld [tilespmem:s28+$0xC140];
	[tilespmem:s25+$0x4130] =	vst v8;
	v8 =	vmul.f32 $1.999999950e-05, v0;
	v7 =	vadd.f32 v10, v7  }
0x76: {  	v0 =	vld [tilespmem:s28+$0xC150];
	[tilespmem:s25+$0x4140] =	vst v9;
	v6 =	vmul.f32 $1.999999950e-05, v6  }
0x77: {  	v11 =	vld [tilespmem:s28+$0x4100];
	[tilespmem:s25+$0x4150] =	vst v8;
	v7 =	vmul.f32 $1.999999950e-05, v7  }
0x78: {  	v13 =	vld [tilespmem:s28+$0x4110];
	[tilespmem:s25+$0x4160] =	vst v6  }
.Ltmp1:
0x79: {  	v10 =	vld [tilespmem:s28+$0x4120];
	[tilespmem:s25+$0x4170] =	vst v7;
	s25 =	smov.u32 s28;
	(pc) =	sbr.rel @p0 .LBB2_4-.Ltmp1, $4  }
0x7a: {  	v9 =	vld [tilespmem:s25+$0x4130]  }
0x7b: {  	v8 =	vld [tilespmem:s25+$0x4140]  }
0x7c: {  	v12 =	vmul.f32 $4.999900000e+04, v11;
	v7 =	vld [tilespmem:s25+$0x4150]  }
0x7d: {  	s26 =	sadd.s32 $0x200, s26;
	v11 =	vmul.f32 $4.999900000e+04, v13;
	v6 =	vld [tilespmem:s25+$0x4160]  }
0x7e: {  	v5 =	vadd.f32 v5, v12;
	v10 =	vmul.f32 $4.999900000e+04, v10;
	v55 =	vld [tilespmem:s25+$0x4170]  }
0x7f: {  	v56 =	vld [tilespmem:s25+$0xC160];
	v4 =	vadd.f32 v4, v11;
	v9 =	vmul.f32 $4.999900000e+04, v9  }
0x80: {  	v57 =	vld [tilespmem:s25+$0xC170];
	v5 =	vmul.f32 $1.999999950e-05, v5;
	v3 =	vadd.f32 v3, v10;
	v8 =	vmul.f32 $4.999900000e+04, v8  }
0x81: {  	v4 =	vmul.f32 $1.999999950e-05, v4;
	v2 =	vadd.f32 v2, v9;
	v7 =	vmul.f32 $4.999900000e+04, v7  }
0x82: {  	[tilespmem:s25+$0x4100] =	vst v5;
	v3 =	vmul.f32 $1.999999950e-05, v3;
	v1 =	vadd.f32 v1, v8;
	v58 =	vmul.f32 $4.999900000e+04, v6  }
0x83: {  	[tilespmem:s25+$0x4110] =	vst v4;
	v2 =	vmul.f32 $1.999999950e-05, v2;
	v0 =	vadd.f32 v0, v7;
	v59 =	vmul.f32 $4.999900000e+04, v55  }
0x84: {  	[tilespmem:s25+$0x4120] =	vst v3;
	v1 =	vmul.f32 $1.999999950e-05, v1;
	v60 =	vadd.f32 v56, v58  }
0x85: {  	[tilespmem:s25+$0x4130] =	vst v2;
	v0 =	vmul.f32 $1.999999950e-05, v0;
	v61 =	vadd.f32 v57, v59  }
0x86: {  	[tilespmem:s25+$0x4140] =	vst v1;
	v62 =	vmul.f32 $1.999999950e-05, v60  }
0x87: {  	[tilespmem:s25+$0x4150] =	vst v0;
	v63 =	vmul.f32 $1.999999950e-05, v61  }
0x88: {  	[tilespmem:s25+$0x4160] =	vst v62  }
0x89: {  	[tilespmem:s25+$0x4170] =	vst v63  }
0x8a: {  	s24 =	sadd.s32 $0x1, s24;
	_ =	swait.ge [sflag:s23], $0x4000  }
0x8b: {  	p0 =	sne.s32 s24, s11;
	[sflag:s23] =	ssyncset.done $0x0  }
.Ltmp2:
0x8c: {  	[sflag:s23] =	ssyncadd.s32 $0xFFFFC000;
	(pc) =	sbr.rel @p0 .LBB2_1-.Ltmp2, $4  }
0x8d: {  	[hbm4b:s3+s13] =	stream.indirect.scatter [tilespmem:s15], [sflag:$0x5], $0x80, s13, s13, $0xb8;
	[tilespmem:$0x14100] =	vst v63  }
0x8e: {  	_ =	swait.ge [sflag:s23], $0x4000  }
0x8f: {  	[sflag:s23] =	ssyncset.done $0x0  }
0x90: {  	[sflag:s23] =	ssyncadd.s32 $0xFFFFC000  }
0x91: {  	_ =	sfence.sel $0x180000  }
0x92: {  	[bflag:$0x0] =	sbarrier.arrive $0xFFFF  }
0x93: {  	p0 =	sne.s32 s2, $0x0;
	_ =	strace $0x90000047  }
0x94: {  	s0 =	sadd.s32 @!p0 $0x100000, s0;
	[bflag:$0x2] =	sbarrier.arrive $0xFFFF  }
0x95: {  	[sflag:s0] =	ssyncadd.tile.s32 @!p0 $0x1;
	_ =	shalt  }
.Lfunc_end2:
_tile_overlayer_lowered:
.L_overlay_start_2:
0x96: {  	(tag) =	ssettag $0x2  }
0x97: {  	s0 =	rddreg [dreg:$0x0];
	s2 =	stileid.u32  }
0x98: {  	s1 =	rddreg [dreg:$0x1];
	p0 =	sne.s32 s2, $0x0  }
0x99: {  	s3 =	rddreg [dreg:$0x2];
	[bflag:$0x3] =	sbarrier.arrive $0xFFFF;
	s2 =	simm.s32 @!p0 $0x1C06  }
0x9a: {  	[timem:s3], [sflag:s2] =	dma.local @!p0 [hbm:s0], s1  }
0x9b: {  	s0 =	simm.s32 @!p0 $0x6  }
0x9c: {  	_ =	swait.ge @!p0 [sflag:s0], s1  }
0x9d: {  	s1 =	ssub.s32 @!p0 $0x0, s1;
	[sflag:s0] =	ssyncset.done @!p0 $0x0  }
0x9e: {  	[sflag:s0] =	ssyncadd.s32 @!p0 s1  }
0x9f: {  	[bflag:$0x3] =	sbarrier.arrive $0xFFFF  }
0xa0: {  	_ =	shalt  }

</sc_bundles>
